<compile_context>
chip_gen: v7x
topology: tpu7x:2x2x1
jax: 0.10.2.dev20260603
libtpu: 0.0.44.dev20260713+nightly
codegen_flags: <defaults>
</compile_context>

<pallas_src>
import functools

import jax
import jax.numpy as jnp
from jax import lax
from jax.experimental import pallas as pl
from jax.experimental.pallas import tpu as pltpu
from jax.experimental.pallas import tpu_sc as plsc

_N = 8192
_BQ = 1024
_NBQ = _N // _BQ
_NC = 2
_NS = 16
_NW = _NC * _NS
_QPW = _N // _NW
_CH = 128
_L = 16


def _bf(x):
    return x.astype(jnp.bfloat16).astype(jnp.float32)


def _nn_tc_body(q_ref, k_ref, out_ref, b_scr):
    i = pl.program_id(0)

    @pl.when(i == 0)
    def _build():
        for d in range(2):
            kx = k_ref[d, 0:1, :]
            ky = k_ref[d, 1:2, :]
            kn = kx * kx + ky * ky
            kn1 = kn.astype(jnp.bfloat16)
            r1 = kn - kn1.astype(jnp.float32)
            kn2 = r1.astype(jnp.bfloat16)
            kn3 = (r1 - kn2.astype(jnp.float32)).astype(jnp.bfloat16)
            brow = lax.broadcasted_iota(jnp.int32, (8, _N), 0)
            b = jnp.where(brow == 0, _bf(-2.0 * kx),
                jnp.where(brow == 1, _bf(-2.0 * ky),
                jnp.where(brow == 2, kn1.astype(jnp.float32),
                jnp.where(brow == 3, kn2.astype(jnp.float32),
                jnp.where(brow == 4, kn3.astype(jnp.float32),
                          0.0))))).astype(jnp.bfloat16)
            b_scr[d] = b

    qx = q_ref[:, 0:1]
    qy = q_ref[:, 1:2]
    arow = lax.broadcasted_iota(jnp.int32, (qx.shape[0], 8), 1)
    a = jnp.where(arow == 0, _bf(qx),
        jnp.where(arow == 1, _bf(qy),
        jnp.where(arow < 5, 1.0, 0.0))).astype(jnp.bfloat16)

    d2 = lax.dot_general(a, b_scr[i // _NBQ], (((1,), (0,)), ((), ())),
                         preferred_element_type=jnp.float32)
    bq = q_ref.shape[0]
    mval = d2[:, 0:128]
    mcol = jnp.zeros((bq, 128), jnp.int32)
    for c in range(1, _N // 128):
        colv = d2[:, c * 128:(c + 1) * 128]
        mask = colv < mval
        mval = jnp.where(mask, colv, mval)
        mcol = jnp.where(mask, c, mcol)
    lane = lax.broadcasted_iota(jnp.int32, (bq, 128), 1)
    gidx = mcol * 128 + lane
    m2 = jnp.min(mval, axis=1, keepdims=True)
    idx = jnp.min(jnp.where(mval <= m2, gidx, _N), axis=1)
    out_ref[0, 0, :] = idx


def _nn_indices(q_all, k_all):
    out = pl.pallas_call(
        _nn_tc_body,
        grid=(2 * _NBQ,),
        in_specs=[
            pl.BlockSpec((_BQ, 2), lambda i: (i, 0)),
            pl.BlockSpec((2, 2, _N), lambda i: (0, 0, 0)),
        ],
        out_specs=pl.BlockSpec((1, 1, _BQ), lambda i: (i, 0, 0)),
        out_shape=jax.ShapeDtypeStruct((2 * _NBQ, 1, _BQ), jnp.int32),
        scratch_shapes=[pltpu.VMEM((2, 8, _N), jnp.bfloat16)],
    )(q_all, k_all)
    return out.reshape(2, _N)


def _sc_partials(px, py, tx, ty, idx_gt, idx_pred):
    mesh = plsc.VectorSubcoreMesh(core_axis_name="c", subcore_axis_name="s")

    @functools.partial(
        pl.kernel,
        mesh=mesh,
        out_type=jax.ShapeDtypeStruct((_NW, 64), jnp.float32),
        scratch_types=[
            pltpu.VMEM((_CH,), jnp.int32),
            pltpu.VMEM((_CH,), jnp.float32),
            pltpu.VMEM((_CH,), jnp.float32),
            pltpu.VMEM((_CH,), jnp.float32),
            pltpu.VMEM((_CH,), jnp.float32),
            pltpu.VMEM((64,), jnp.float32),
            pltpu.SemaphoreType.DMA,
        ],
    )
    def body(px_h, py_h, tx_h, ty_h, ig_h, ip_h, out_h,
             idx_v, qx_v, qy_v, gx_v, gy_v, row_v, sem):
        wid = lax.axis_index("s") * _NC + lax.axis_index("c")
        base = wid * _QPW
        for d in range(2):
            qxh, qyh = (px_h, py_h) if d == 0 else (tx_h, ty_h)
            kxh, kyh = (tx_h, ty_h) if d == 0 else (px_h, py_h)
            ih = ig_h if d == 0 else ip_h
            accx = jnp.zeros((_L,), jnp.float32)
            accy = jnp.zeros((_L,), jnp.float32)
            for c in range(_QPW // _CH):
                off = base + c * _CH
                pltpu.sync_copy(ih.at[pl.ds(off, _CH)], idx_v)
                pltpu.sync_copy(qxh.at[pl.ds(off, _CH)], qx_v)
                pltpu.sync_copy(qyh.at[pl.ds(off, _CH)], qy_v)
                pltpu.async_copy(kxh.at[idx_v], gx_v, sem).wait()
                pltpu.async_copy(kyh.at[idx_v], gy_v, sem).wait()
                for i in range(_CH // _L):
                    s = pl.ds(i * _L, _L)
                    accx = accx + jnp.abs(qx_v[s] - gx_v[s])
                    accy = accy + jnp.abs(qy_v[s] - gy_v[s])
            row_v[pl.ds(d * 32, _L)] = accx
            row_v[pl.ds(d * 32 + _L, _L)] = accy
        pltpu.sync_copy(row_v, out_h.at[wid])

    return body(px, py, tx, ty, idx_gt, idx_pred)


def kernel(preds, targs, subcoef):
    p = preds[:, :2]
    t = targs[:, :2]
    q_all = jnp.concatenate([p, t], axis=0)
    k_all = jnp.stack([t.T, p.T])
    idx = _nn_indices(q_all, k_all)
    parts = _sc_partials(p[:, 0], p[:, 1], t[:, 0], t[:, 1], idx[0], idx[1])
    sums = jnp.sum(parts.reshape(_NW, 4, _L), axis=(0, 2))
    return sums[0] * subcoef[0] + sums[1] * subcoef[1] + sums[2] + sums[3]

# --- scband reference (transcript-rebuilt; emitter-appended) ---
"""Pipeline reference for scband-nnloss-6459630813839 (READ-ONLY COPY).

The authoritative reference and input builder live on the scoring server;
editing this copy changes nothing except your own understanding.
"""

import jax, jax.numpy as jnp
import numpy as np

LOSS_INDICES = np.array([0, 1])  # local-only: np instead of jnp so mock-mode tools can import this module; semantics identical


def _nn_idx(keys, queries):
    # 1-NN index of each query into keys, via squared-distance matrix
    qn = jnp.sum(queries * queries, axis=1)
    kn = jnp.sum(keys * keys, axis=1)
    d2 = qn[:, None] + kn[None, :] - 2.0 * (queries @ keys.T)
    return jnp.argmin(d2, axis=1)


def setup_inputs(seed: int = 0) -> dict:
    key = jax.random.key(seed)
    k1, k2 = jax.random.split(key)
    preds = jax.random.normal(k1, (8192, 4), dtype=jnp.float32)
    targs = jax.random.normal(k2, (8192, 4), dtype=jnp.float32)
    subcoef = jnp.ones((2,), dtype=jnp.float32)
    return {"preds": preds, "targs": targs, "subcoef": subcoef}


def reference(preds, targs, subcoef):
    # Slice loss_indices = [0, 1] as in NNLoss.nn_loss
    p = jnp.take(preds, LOSS_INDICES, axis=1)
    targ = jnp.take(targs, LOSS_INDICES, axis=1)

    # gt_tree: KDTree on GTs, queried with preds (move preds to nearest GT)
    idx_gt = _nn_idx(targ, p)
    move_preds_to_gt = jnp.sum(jnp.abs(p - targ[idx_gt]) * subcoef)

    # pred_tree: KDTree on preds, queried with GTs (move GTs to nearest pred)
    idx_pred = _nn_idx(p, targ)
    move_gts_to_pred = jnp.sum(jnp.abs(p[idx_pred] - targ))

    return move_gts_to_pred + move_preds_to_gt

if __name__ == "__main__":
    import jax
    _d = setup_inputs()
    print(jax.jit(kernel)(*tuple(_d.values())))

</pallas_src>

<mosaic_0001>
#map = affine_map<(d0, d1) -> (0)>
#map1 = affine_map<(d0, d1) -> (0, 0)>
module attributes {stable_mosaic.version = 14 : i64} {
  func.func @body(%arg0: i32, %arg1: i32, %arg2: memref<8192xf32, #tpu.memory_space<hbm>>, %arg3: memref<8192xf32, #tpu.memory_space<hbm>>, %arg4: memref<8192xf32, #tpu.memory_space<hbm>>, %arg5: memref<8192xf32, #tpu.memory_space<hbm>>, %arg6: memref<8192xi32, #tpu.memory_space<hbm>>, %arg7: memref<8192xi32, #tpu.memory_space<hbm>>, %arg8: memref<32x64xf32, #tpu.memory_space<hbm>>, %arg9: memref<128xi32, #tpu.memory_space<vmem>>, %arg10: memref<128xf32, #tpu.memory_space<vmem>>, %arg11: memref<128xf32, #tpu.memory_space<vmem>>, %arg12: memref<128xf32, #tpu.memory_space<vmem>>, %arg13: memref<128xf32, #tpu.memory_space<vmem>>, %arg14: memref<64xf32, #tpu.memory_space<vmem>>, %arg15: memref<!tpu.dma_semaphore, #tpu.memory_space<semaphore_mem>>) attributes {dimension_semantics = [#tpu.dimension_semantics<core_parallel>, #tpu.dimension_semantics<subcore_parallel>], iteration_bounds = array<i64: 2, 16>, scalar_prefetch = 0 : i64, scratch_operands = 7 : i64, tpu.core_type = #tpu.core_type<sc_vector_subcore>, window_params = [{transform_indices = #map}, {transform_indices = #map}, {transform_indices = #map}, {transform_indices = #map}, {transform_indices = #map}, {transform_indices = #map}, {transform_indices = #map1}]} {
    %mul3A = arith.constant 2 : i32
    %mul3A_0 = arith.muli %arg1, %mul3A : i32
    %add3A = arith.addi %mul3A_0, %arg0 : i32
    %mul3A_1 = arith.constant 256 : i32
    %mul3A_2 = arith.muli %add3A, %mul3A_1 : i32
    %broadcast_in_dim3A = arith.constant 0.000000e+00 : f32
    %broadcast_in_dim3A_3 = vector.broadcast %broadcast_in_dim3A : f32 to vector<16xf32>
    %broadcast_in_dim3A_4 = arith.constant 0.000000e+00 : f32
    %broadcast_in_dim3A_5 = vector.broadcast %broadcast_in_dim3A_4 : f32 to vector<16xf32>
    %add3A_6 = arith.constant 0 : i32
    %add3A_7 = arith.addi %mul3A_2, %add3A_6 : i32
    "tpu.region"() ({
      %run_scoped3A = tpu.sem_alloc : memref<!tpu.dma_semaphore, #tpu.memory_space<semaphore_mem>>
      %dma_start3A_636 = tpu.memref_slice %arg6[%add3A_7] : memref<8192xi32, #tpu.memory_space<hbm>> -> memref<128xi32, #tpu.memory_space<hbm>>
      %dma_start3A_637 = tpu.memref_slice %arg6[%add3A_7] : memref<8192xi32, #tpu.memory_space<hbm>> -> memref<128xi32, #tpu.memory_space<hbm>>
      tpu.enqueue_dma source(%dma_start3A_637 : memref<128xi32, #tpu.memory_space<hbm>>) target(%arg9 : memref<128xi32, #tpu.memory_space<vmem>>) target_semaphore(%run_scoped3A : memref<!tpu.dma_semaphore, #tpu.memory_space<semaphore_mem>>)
      %dma_wait3A_638 = tpu.memref_slice %arg6[%add3A_7] : memref<8192xi32, #tpu.memory_space<hbm>> -> memref<128xi32, #tpu.memory_space<hbm>>
      %dma_wait3A_639 = tpu.memref_slice %arg6[%add3A_7] : memref<8192xi32, #tpu.memory_space<hbm>> -> memref<128xi32, #tpu.memory_space<hbm>>
      tpu.wait_dma2 semaphore(%run_scoped3A : memref<!tpu.dma_semaphore, #tpu.memory_space<semaphore_mem>>) src(%dma_wait3A_639 : memref<128xi32, #tpu.memory_space<hbm>>) dst(%arg9 : memref<128xi32, #tpu.memory_space<vmem>>)
      tpu.yield
    }) : () -> ()
    "tpu.region"() ({
      %run_scoped3A = tpu.sem_alloc : memref<!tpu.dma_semaphore, #tpu.memory_space<semaphore_mem>>
      %dma_start3A_636 = tpu.memref_slice %arg2[%add3A_7] : memref<8192xf32, #tpu.memory_space<hbm>> -> memref<128xf32, #tpu.memory_space<hbm>>
      %dma_start3A_637 = tpu.memref_slice %arg2[%add3A_7] : memref<8192xf32, #tpu.memory_space<hbm>> -> memref<128xf32, #tpu.memory_space<hbm>>
      tpu.enqueue_dma source(%dma_start3A_637 : memref<128xf32, #tpu.memory_space<hbm>>) target(%arg10 : memref<128xf32, #tpu.memory_space<vmem>>) target_semaphore(%run_scoped3A : memref<!tpu.dma_semaphore, #tpu.memory_space<semaphore_mem>>)
      %dma_wait3A_638 = tpu.memref_slice %arg2[%add3A_7] : memref<8192xf32, #tpu.memory_space<hbm>> -> memref<128xf32, #tpu.memory_space<hbm>>
      %dma_wait3A_639 = tpu.memref_slice %arg2[%add3A_7] : memref<8192xf32, #tpu.memory_space<hbm>> -> memref<128xf32, #tpu.memory_space<hbm>>
      tpu.wait_dma2 semaphore(%run_scoped3A : memref<!tpu.dma_semaphore, #tpu.memory_space<semaphore_mem>>) src(%dma_wait3A_639 : memref<128xf32, #tpu.memory_space<hbm>>) dst(%arg10 : memref<128xf32, #tpu.memory_space<vmem>>)
      tpu.yield
    }) : () -> ()
    "tpu.region"() ({
      %run_scoped3A = tpu.sem_alloc : memref<!tpu.dma_semaphore, #tpu.memory_space<semaphore_mem>>
      %dma_start3A_636 = tpu.memref_slice %arg3[%add3A_7] : memref<8192xf32, #tpu.memory_space<hbm>> -> memref<128xf32, #tpu.memory_space<hbm>>
      %dma_start3A_637 = tpu.memref_slice %arg3[%add3A_7] : memref<8192xf32, #tpu.memory_space<hbm>> -> memref<128xf32, #tpu.memory_space<hbm>>
      tpu.enqueue_dma source(%dma_start3A_637 : memref<128xf32, #tpu.memory_space<hbm>>) target(%arg11 : memref<128xf32, #tpu.memory_space<vmem>>) target_semaphore(%run_scoped3A : memref<!tpu.dma_semaphore, #tpu.memory_space<semaphore_mem>>)
      %dma_wait3A_638 = tpu.memref_slice %arg3[%add3A_7] : memref<8192xf32, #tpu.memory_space<hbm>> -> memref<128xf32, #tpu.memory_space<hbm>>
      %dma_wait3A_639 = tpu.memref_slice %arg3[%add3A_7] : memref<8192xf32, #tpu.memory_space<hbm>> -> memref<128xf32, #tpu.memory_space<hbm>>
      tpu.wait_dma2 semaphore(%run_scoped3A : memref<!tpu.dma_semaphore, #tpu.memory_space<semaphore_mem>>) src(%dma_wait3A_639 : memref<128xf32, #tpu.memory_space<hbm>>) dst(%arg11 : memref<128xf32, #tpu.memory_space<vmem>>)
      tpu.yield
    }) : () -> ()
    %dma_start3A = arith.constant 0 : i32
    %dma_start3A_8 = tpu.memref_slice %arg4[%dma_start3A] : memref<8192xf32, #tpu.memory_space<hbm>> -> memref<8192xf32, #tpu.memory_space<hbm>>
    tpu.enqueue_indirect_dma source(%dma_start3A_8 : memref<8192xf32, #tpu.memory_space<hbm>>) target(%arg12 : memref<128xf32, #tpu.memory_space<vmem>>) offsets(%arg9 : memref<128xi32, #tpu.memory_space<vmem>>) semaphore(%arg15 : memref<!tpu.dma_semaphore, #tpu.memory_space<semaphore_mem>>)
    %dma_wait3A = arith.constant 0 : i32
    %dma_wait3A_9 = tpu.memref_slice %arg4[%dma_wait3A] : memref<8192xf32, #tpu.memory_space<hbm>> -> memref<8192xf32, #tpu.memory_space<hbm>>
    tpu.wait_indirect_dma semaphore(%arg15 : memref<!tpu.dma_semaphore, #tpu.memory_space<semaphore_mem>>) src(%dma_wait3A_9 : memref<8192xf32, #tpu.memory_space<hbm>>) dst(%arg12 : memref<128xf32, #tpu.memory_space<vmem>>)
    %dma_start3A_10 = arith.constant 0 : i32
    %dma_start3A_11 = tpu.memref_slice %arg5[%dma_start3A_10] : memref<8192xf32, #tpu.memory_space<hbm>> -> memref<8192xf32, #tpu.memory_space<hbm>>
    tpu.enqueue_indirect_dma source(%dma_start3A_11 : memref<8192xf32, #tpu.memory_space<hbm>>) target(%arg13 : memref<128xf32, #tpu.memory_space<vmem>>) offsets(%arg9 : memref<128xi32, #tpu.memory_space<vmem>>) semaphore(%arg15 : memref<!tpu.dma_semaphore, #tpu.memory_space<semaphore_mem>>)
    %dma_wait3A_12 = arith.constant 0 : i32
    %dma_wait3A_13 = tpu.memref_slice %arg5[%dma_wait3A_12] : memref<8192xf32, #tpu.memory_space<hbm>> -> memref<8192xf32, #tpu.memory_space<hbm>>
    tpu.wait_indirect_dma semaphore(%arg15 : memref<!tpu.dma_semaphore, #tpu.memory_space<semaphore_mem>>) src(%dma_wait3A_13 : memref<8192xf32, #tpu.memory_space<hbm>>) dst(%arg13 : memref<128xf32, #tpu.memory_space<vmem>>)
    %get3A = arith.constant 0 : index
    %get3A_14 = tpu.vector_load %arg10[%get3A] {strides = array<i32>} : memref<128xf32, #tpu.memory_space<vmem>>, vector<16xf32>,
    %get3A_15 = vector.shape_cast %get3A_14 : vector<16xf32> to vector<16xf32>
    %get3A_16 = arith.constant 0 : index
    %get3A_17 = tpu.vector_load %arg12[%get3A_16] {strides = array<i32>} : memref<128xf32, #tpu.memory_space<vmem>>, vector<16xf32>,
    %get3A_18 = vector.shape_cast %get3A_17 : vector<16xf32> to vector<16xf32>
    %sub3A = arith.subf %get3A_15, %get3A_18 : vector<16xf32>
    %abs3A = math.absf %sub3A : vector<16xf32>
    %add3A_19 = arith.addf %broadcast_in_dim3A_3, %abs3A : vector<16xf32>
    %get3A_20 = arith.constant 0 : index
    %get3A_21 = tpu.vector_load %arg11[%get3A_20] {strides = array<i32>} : memref<128xf32, #tpu.memory_space<vmem>>, vector<16xf32>,
    %get3A_22 = vector.shape_cast %get3A_21 : vector<16xf32> to vector<16xf32>
    %get3A_23 = arith.constant 0 : index
    %get3A_24 = tpu.vector_load %arg13[%get3A_23] {strides = array<i32>} : memref<128xf32, #tpu.memory_space<vmem>>, vector<16xf32>,
    %get3A_25 = vector.shape_cast %get3A_24 : vector<16xf32> to vector<16xf32>
    %sub3A_26 = arith.subf %get3A_22, %get3A_25 : vector<16xf32>
    %abs3A_27 = math.absf %sub3A_26 : vector<16xf32>
    %add3A_28 = arith.addf %broadcast_in_dim3A_5, %abs3A_27 : vector<16xf32>
    %get3A_29 = arith.constant 16 : index
    %get3A_30 = tpu.vector_load %arg10[%get3A_29] {strides = array<i32>} : memref<128xf32, #tpu.memory_space<vmem>>, vector<16xf32>,
    %get3A_31 = vector.shape_cast %get3A_30 : vector<16xf32> to vector<16xf32>
    %get3A_32 = arith.constant 16 : index
    %get3A_33 = tpu.vector_load %arg12[%get3A_32] {strides = array<i32>} : memref<128xf32, #tpu.memory_space<vmem>>, vector<16xf32>,
    %get3A_34 = vector.shape_cast %get3A_33 : vector<16xf32> to vector<16xf32>
    %sub3A_35 = arith.subf %get3A_31, %get3A_34 : vector<16xf32>
    %abs3A_36 = math.absf %sub3A_35 : vector<16xf32>
    %add3A_37 = arith.addf %add3A_19, %abs3A_36 : vector<16xf32>
    %get3A_38 = arith.constant 16 : index
    %get3A_39 = tpu.vector_load %arg11[%get3A_38] {strides = array<i32>} : memref<128xf32, #tpu.memory_space<vmem>>, vector<16xf32>,
    %get3A_40 = vector.shape_cast %get3A_39 : vector<16xf32> to vector<16xf32>
    %get3A_41 = arith.constant 16 : index
    %get3A_42 = tpu.vector_load %arg13[%get3A_41] {strides = array<i32>} : memref<128xf32, #tpu.memory_space<vmem>>, vector<16xf32>,
    %get3A_43 = vector.shape_cast %get3A_42 : vector<16xf32> to vector<16xf32>
    %sub3A_44 = arith.subf %get3A_40, %get3A_43 : vector<16xf32>
    %abs3A_45 = math.absf %sub3A_44 : vector<16xf32>
    %add3A_46 = arith.addf %add3A_28, %abs3A_45 : vector<16xf32>
    %get3A_47 = arith.constant 32 : index
    %get3A_48 = tpu.vector_load %arg10[%get3A_47] {strides = array<i32>} : memref<128xf32, #tpu.memory_space<vmem>>, vector<16xf32>,
    %get3A_49 = vector.shape_cast %get3A_48 : vector<16xf32> to vector<16xf32>
    %get3A_50 = arith.constant 32 : index
    %get3A_51 = tpu.vector_load %arg12[%get3A_50] {strides = array<i32>} : memref<128xf32, #tpu.memory_space<vmem>>, vector<16xf32>,
    %get3A_52 = vector.shape_cast %get3A_51 : vector<16xf32> to vector<16xf32>
    %sub3A_53 = arith.subf %get3A_49, %get3A_52 : vector<16xf32>
    %abs3A_54 = math.absf %sub3A_53 : vector<16xf32>
    %add3A_55 = arith.addf %add3A_37, %abs3A_54 : vector<16xf32>
    %get3A_56 = arith.constant 32 : index
    %get3A_57 = tpu.vector_load %arg11[%get3A_56] {strides = array<i32>} : memref<128xf32, #tpu.memory_space<vmem>>, vector<16xf32>,
    %get3A_58 = vector.shape_cast %get3A_57 : vector<16xf32> to vector<16xf32>
    %get3A_59 = arith.constant 32 : index
    %get3A_60 = tpu.vector_load %arg13[%get3A_59] {strides = array<i32>} : memref<128xf32, #tpu.memory_space<vmem>>, vector<16xf32>,
    %get3A_61 = vector.shape_cast %get3A_60 : vector<16xf32> to vector<16xf32>
    %sub3A_62 = arith.subf %get3A_58, %get3A_61 : vector<16xf32>
    %abs3A_63 = math.absf %sub3A_62 : vector<16xf32>
    %add3A_64 = arith.addf %add3A_46, %abs3A_63 : vector<16xf32>
    %get3A_65 = arith.constant 48 : index
    %get3A_66 = tpu.vector_load %arg10[%get3A_65] {strides = array<i32>} : memref<128xf32, #tpu.memory_space<vmem>>, vector<16xf32>,
    %get3A_67 = vector.shape_cast %get3A_66 : vector<16xf32> to vector<16xf32>
    %get3A_68 = arith.constant 48 : index
    %get3A_69 = tpu.vector_load %arg12[%get3A_68] {strides = array<i32>} : memref<128xf32, #tpu.memory_space<vmem>>, vector<16xf32>,
    %get3A_70 = vector.shape_cast %get3A_69 : vector<16xf32> to vector<16xf32>
    %sub3A_71 = arith.subf %get3A_67, %get3A_70 : vector<16xf32>
    %abs3A_72 = math.absf %sub3A_71 : vector<16xf32>
    %add3A_73 = arith.addf %add3A_55, %abs3A_72 : vector<16xf32>
    %get3A_74 = arith.constant 48 : index
    %get3A_75 = tpu.vector_load %arg11[%get3A_74] {strides = array<i32>} : memref<128xf32, #tpu.memory_space<vmem>>, vector<16xf32>,
    %get3A_76 = vector.shape_cast %get3A_75 : vector<16xf32> to vector<16xf32>
    %get3A_77 = arith.constant 48 : index
    %get3A_78 = tpu.vector_load %arg13[%get3A_77] {strides = array<i32>} : memref<128xf32, #tpu.memory_space<vmem>>, vector<16xf32>,
    %get3A_79 = vector.shape_cast %get3A_78 : vector<16xf32> to vector<16xf32>
    %sub3A_80 = arith.subf %get3A_76, %get3A_79 : vector<16xf32>
    %abs3A_81 = math.absf %sub3A_80 : vector<16xf32>
    %add3A_82 = arith.addf %add3A_64, %abs3A_81 : vector<16xf32>
    %get3A_83 = arith.constant 64 : index
    %get3A_84 = tpu.vector_load %arg10[%get3A_83] {strides = array<i32>} : memref<128xf32, #tpu.memory_space<vmem>>, vector<16xf32>,
    %get3A_85 = vector.shape_cast %get3A_84 : vector<16xf32> to vector<16xf32>
    %get3A_86 = arith.constant 64 : index
    %get3A_87 = tpu.vector_load %arg12[%get3A_86] {strides = array<i32>} : memref<128xf32, #tpu.memory_space<vmem>>, vector<16xf32>,
    %get3A_88 = vector.shape_cast %get3A_87 : vector<16xf32> to vector<16xf32>
    %sub3A_89 = arith.subf %get3A_85, %get3A_88 : vector<16xf32>
    %abs3A_90 = math.absf %sub3A_89 : vector<16xf32>
    %add3A_91 = arith.addf %add3A_73, %abs3A_90 : vector<16xf32>
    %get3A_92 = arith.constant 64 : index
    %get3A_93 = tpu.vector_load %arg11[%get3A_92] {strides = array<i32>} : memref<128xf32, #tpu.memory_space<vmem>>, vector<16xf32>,
    %get3A_94 = vector.shape_cast %get3A_93 : vector<16xf32> to vector<16xf32>
    %get3A_95 = arith.constant 64 : index
    %get3A_96 = tpu.vector_load %arg13[%get3A_95] {strides = array<i32>} : memref<128xf32, #tpu.memory_space<vmem>>, vector<16xf32>,
    %get3A_97 = vector.shape_cast %get3A_96 : vector<16xf32> to vector<16xf32>
    %sub3A_98 = arith.subf %get3A_94, %get3A_97 : vector<16xf32>
    %abs3A_99 = math.absf %sub3A_98 : vector<16xf32>
    %add3A_100 = arith.addf %add3A_82, %abs3A_99 : vector<16xf32>
    %get3A_101 = arith.constant 80 : index
    %get3A_102 = tpu.vector_load %arg10[%get3A_101] {strides = array<i32>} : memref<128xf32, #tpu.memory_space<vmem>>, vector<16xf32>,
    %get3A_103 = vector.shape_cast %get3A_102 : vector<16xf32> to vector<16xf32>
    %get3A_104 = arith.constant 80 : index
    %get3A_105 = tpu.vector_load %arg12[%get3A_104] {strides = array<i32>} : memref<128xf32, #tpu.memory_space<vmem>>, vector<16xf32>,
    %get3A_106 = vector.shape_cast %get3A_105 : vector<16xf32> to vector<16xf32>
    %sub3A_107 = arith.subf %get3A_103, %get3A_106 : vector<16xf32>
    %abs3A_108 = math.absf %sub3A_107 : vector<16xf32>
    %add3A_109 = arith.addf %add3A_91, %abs3A_108 : vector<16xf32>
    %get3A_110 = arith.constant 80 : index
    %get3A_111 = tpu.vector_load %arg11[%get3A_110] {strides = array<i32>} : memref<128xf32, #tpu.memory_space<vmem>>, vector<16xf32>,
    %get3A_112 = vector.shape_cast %get3A_111 : vector<16xf32> to vector<16xf32>
    %get3A_113 = arith.constant 80 : index
    %get3A_114 = tpu.vector_load %arg13[%get3A_113] {strides = array<i32>} : memref<128xf32, #tpu.memory_space<vmem>>, vector<16xf32>,
    %get3A_115 = vector.shape_cast %get3A_114 : vector<16xf32> to vector<16xf32>
    %sub3A_116 = arith.subf %get3A_112, %get3A_115 : vector<16xf32>
    %abs3A_117 = math.absf %sub3A_116 : vector<16xf32>
    %add3A_118 = arith.addf %add3A_100, %abs3A_117 : vector<16xf32>
    %get3A_119 = arith.constant 96 : index
    %get3A_120 = tpu.vector_load %arg10[%get3A_119] {strides = array<i32>} : memref<128xf32, #tpu.memory_space<vmem>>, vector<16xf32>,
    %get3A_121 = vector.shape_cast %get3A_120 : vector<16xf32> to vector<16xf32>
    %get3A_122 = arith.constant 96 : index
    %get3A_123 = tpu.vector_load %arg12[%get3A_122] {strides = array<i32>} : memref<128xf32, #tpu.memory_space<vmem>>, vector<16xf32>,
    %get3A_124 = vector.shape_cast %get3A_123 : vector<16xf32> to vector<16xf32>
    %sub3A_125 = arith.subf %get3A_121, %get3A_124 : vector<16xf32>
    %abs3A_126 = math.absf %sub3A_125 : vector<16xf32>
    %add3A_127 = arith.addf %add3A_109, %abs3A_126 : vector<16xf32>
    %get3A_128 = arith.constant 96 : index
    %get3A_129 = tpu.vector_load %arg11[%get3A_128] {strides = array<i32>} : memref<128xf32, #tpu.memory_space<vmem>>, vector<16xf32>,
    %get3A_130 = vector.shape_cast %get3A_129 : vector<16xf32> to vector<16xf32>
    %get3A_131 = arith.constant 96 : index
    %get3A_132 = tpu.vector_load %arg13[%get3A_131] {strides = array<i32>} : memref<128xf32, #tpu.memory_space<vmem>>, vector<16xf32>,
    %get3A_133 = vector.shape_cast %get3A_132 : vector<16xf32> to vector<16xf32>
    %sub3A_134 = arith.subf %get3A_130, %get3A_133 : vector<16xf32>
    %abs3A_135 = math.absf %sub3A_134 : vector<16xf32>
    %add3A_136 = arith.addf %add3A_118, %abs3A_135 : vector<16xf32>
    %get3A_137 = arith.constant 112 : index
    %get3A_138 = tpu.vector_load %arg10[%get3A_137] {strides = array<i32>} : memref<128xf32, #tpu.memory_space<vmem>>, vector<16xf32>,
    %get3A_139 = vector.shape_cast %get3A_138 : vector<16xf32> to vector<16xf32>
    %get3A_140 = arith.constant 112 : index
    %get3A_141 = tpu.vector_load %arg12[%get3A_140] {strides = array<i32>} : memref<128xf32, #tpu.memory_space<vmem>>, vector<16xf32>,
    %get3A_142 = vector.shape_cast %get3A_141 : vector<16xf32> to vector<16xf32>
    %sub3A_143 = arith.subf %get3A_139, %get3A_142 : vector<16xf32>
    %abs3A_144 = math.absf %sub3A_143 : vector<16xf32>
    %add3A_145 = arith.addf %add3A_127, %abs3A_144 : vector<16xf32>
    %get3A_146 = arith.constant 112 : index
    %get3A_147 = tpu.vector_load %arg11[%get3A_146] {strides = array<i32>} : memref<128xf32, #tpu.memory_space<vmem>>, vector<16xf32>,
    %get3A_148 = vector.shape_cast %get3A_147 : vector<16xf32> to vector<16xf32>
    %get3A_149 = arith.constant 112 : index
    %get3A_150 = tpu.vector_load %arg13[%get3A_149] {strides = array<i32>} : memref<128xf32, #tpu.memory_space<vmem>>, vector<16xf32>,
    %get3A_151 = vector.shape_cast %get3A_150 : vector<16xf32> to vector<16xf32>
    %sub3A_152 = arith.subf %get3A_148, %get3A_151 : vector<16xf32>
    %abs3A_153 = math.absf %sub3A_152 : vector<16xf32>
    %add3A_154 = arith.addf %add3A_136, %abs3A_153 : vector<16xf32>
    %add3A_155 = arith.constant 128 : i32
    %add3A_156 = arith.addi %mul3A_2, %add3A_155 : i32
    "tpu.region"() ({
      %run_scoped3A = tpu.sem_alloc : memref<!tpu.dma_semaphore, #tpu.memory_space<semaphore_mem>>
      %dma_start3A_636 = tpu.memref_slice %arg6[%add3A_156] : memref<8192xi32, #tpu.memory_space<hbm>> -> memref<128xi32, #tpu.memory_space<hbm>>
      %dma_start3A_637 = tpu.memref_slice %arg6[%add3A_156] : memref<8192xi32, #tpu.memory_space<hbm>> -> memref<128xi32, #tpu.memory_space<hbm>>
      tpu.enqueue_dma source(%dma_start3A_637 : memref<128xi32, #tpu.memory_space<hbm>>) target(%arg9 : memref<128xi32, #tpu.memory_space<vmem>>) target_semaphore(%run_scoped3A : memref<!tpu.dma_semaphore, #tpu.memory_space<semaphore_mem>>)
      %dma_wait3A_638 = tpu.memref_slice %arg6[%add3A_156] : memref<8192xi32, #tpu.memory_space<hbm>> -> memref<128xi32, #tpu.memory_space<hbm>>
      %dma_wait3A_639 = tpu.memref_slice %arg6[%add3A_156] : memref<8192xi32, #tpu.memory_space<hbm>> -> memref<128xi32, #tpu.memory_space<hbm>>
      tpu.wait_dma2 semaphore(%run_scoped3A : memref<!tpu.dma_semaphore, #tpu.memory_space<semaphore_mem>>) src(%dma_wait3A_639 : memref<128xi32, #tpu.memory_space<hbm>>) dst(%arg9 : memref<128xi32, #tpu.memory_space<vmem>>)
      tpu.yield
    }) : () -> ()
    "tpu.region"() ({
      %run_scoped3A = tpu.sem_alloc : memref<!tpu.dma_semaphore, #tpu.memory_space<semaphore_mem>>
      %dma_start3A_636 = tpu.memref_slice %arg2[%add3A_156] : memref<8192xf32, #tpu.memory_space<hbm>> -> memref<128xf32, #tpu.memory_space<hbm>>
      %dma_start3A_637 = tpu.memref_slice %arg2[%add3A_156] : memref<8192xf32, #tpu.memory_space<hbm>> -> memref<128xf32, #tpu.memory_space<hbm>>
      tpu.enqueue_dma source(%dma_start3A_637 : memref<128xf32, #tpu.memory_space<hbm>>) target(%arg10 : memref<128xf32, #tpu.memory_space<vmem>>) target_semaphore(%run_scoped3A : memref<!tpu.dma_semaphore, #tpu.memory_space<semaphore_mem>>)
      %dma_wait3A_638 = tpu.memref_slice %arg2[%add3A_156] : memref<8192xf32, #tpu.memory_space<hbm>> -> memref<128xf32, #tpu.memory_space<hbm>>
      %dma_wait3A_639 = tpu.memref_slice %arg2[%add3A_156] : memref<8192xf32, #tpu.memory_space<hbm>> -> memref<128xf32, #tpu.memory_space<hbm>>
      tpu.wait_dma2 semaphore(%run_scoped3A : memref<!tpu.dma_semaphore, #tpu.memory_space<semaphore_mem>>) src(%dma_wait3A_639 : memref<128xf32, #tpu.memory_space<hbm>>) dst(%arg10 : memref<128xf32, #tpu.memory_space<vmem>>)
      tpu.yield
    }) : () -> ()
    "tpu.region"() ({
      %run_scoped3A = tpu.sem_alloc : memref<!tpu.dma_semaphore, #tpu.memory_space<semaphore_mem>>
      %dma_start3A_636 = tpu.memref_slice %arg3[%add3A_156] : memref<8192xf32, #tpu.memory_space<hbm>> -> memref<128xf32, #tpu.memory_space<hbm>>
      %dma_start3A_637 = tpu.memref_slice %arg3[%add3A_156] : memref<8192xf32, #tpu.memory_space<hbm>> -> memref<128xf32, #tpu.memory_space<hbm>>
      tpu.enqueue_dma source(%dma_start3A_637 : memref<128xf32, #tpu.memory_space<hbm>>) target(%arg11 : memref<128xf32, #tpu.memory_space<vmem>>) target_semaphore(%run_scoped3A : memref<!tpu.dma_semaphore, #tpu.memory_space<semaphore_mem>>)
      %dma_wait3A_638 = tpu.memref_slice %arg3[%add3A_156] : memref<8192xf32, #tpu.memory_space<hbm>> -> memref<128xf32, #tpu.memory_space<hbm>>
      %dma_wait3A_639 = tpu.memref_slice %arg3[%add3A_156] : memref<8192xf32, #tpu.memory_space<hbm>> -> memref<128xf32, #tpu.memory_space<hbm>>
      tpu.wait_dma2 semaphore(%run_scoped3A : memref<!tpu.dma_semaphore, #tpu.memory_space<semaphore_mem>>) src(%dma_wait3A_639 : memref<128xf32, #tpu.memory_space<hbm>>) dst(%arg11 : memref<128xf32, #tpu.memory_space<vmem>>)
      tpu.yield
    }) : () -> ()
    %dma_start3A_157 = arith.constant 0 : i32
    %dma_start3A_158 = tpu.memref_slice %arg4[%dma_start3A_157] : memref<8192xf32, #tpu.memory_space<hbm>> -> memref<8192xf32, #tpu.memory_space<hbm>>
    tpu.enqueue_indirect_dma source(%dma_start3A_158 : memref<8192xf32, #tpu.memory_space<hbm>>) target(%arg12 : memref<128xf32, #tpu.memory_space<vmem>>) offsets(%arg9 : memref<128xi32, #tpu.memory_space<vmem>>) semaphore(%arg15 : memref<!tpu.dma_semaphore, #tpu.memory_space<semaphore_mem>>)
    %dma_wait3A_159 = arith.constant 0 : i32
    %dma_wait3A_160 = tpu.memref_slice %arg4[%dma_wait3A_159] : memref<8192xf32, #tpu.memory_space<hbm>> -> memref<8192xf32, #tpu.memory_space<hbm>>
    tpu.wait_indirect_dma semaphore(%arg15 : memref<!tpu.dma_semaphore, #tpu.memory_space<semaphore_mem>>) src(%dma_wait3A_160 : memref<8192xf32, #tpu.memory_space<hbm>>) dst(%arg12 : memref<128xf32, #tpu.memory_space<vmem>>)
    %dma_start3A_161 = arith.constant 0 : i32
    %dma_start3A_162 = tpu.memref_slice %arg5[%dma_start3A_161] : memref<8192xf32, #tpu.memory_space<hbm>> -> memref<8192xf32, #tpu.memory_space<hbm>>
    tpu.enqueue_indirect_dma source(%dma_start3A_162 : memref<8192xf32, #tpu.memory_space<hbm>>) target(%arg13 : memref<128xf32, #tpu.memory_space<vmem>>) offsets(%arg9 : memref<128xi32, #tpu.memory_space<vmem>>) semaphore(%arg15 : memref<!tpu.dma_semaphore, #tpu.memory_space<semaphore_mem>>)
    %dma_wait3A_163 = arith.constant 0 : i32
    %dma_wait3A_164 = tpu.memref_slice %arg5[%dma_wait3A_163] : memref<8192xf32, #tpu.memory_space<hbm>> -> memref<8192xf32, #tpu.memory_space<hbm>>
    tpu.wait_indirect_dma semaphore(%arg15 : memref<!tpu.dma_semaphore, #tpu.memory_space<semaphore_mem>>) src(%dma_wait3A_164 : memref<8192xf32, #tpu.memory_space<hbm>>) dst(%arg13 : memref<128xf32, #tpu.memory_space<vmem>>)
    %get3A_165 = arith.constant 0 : index
    %get3A_166 = tpu.vector_load %arg10[%get3A_165] {strides = array<i32>} : memref<128xf32, #tpu.memory_space<vmem>>, vector<16xf32>,
    %get3A_167 = vector.shape_cast %get3A_166 : vector<16xf32> to vector<16xf32>
    %get3A_168 = arith.constant 0 : index
    %get3A_169 = tpu.vector_load %arg12[%get3A_168] {strides = array<i32>} : memref<128xf32, #tpu.memory_space<vmem>>, vector<16xf32>,
    %get3A_170 = vector.shape_cast %get3A_169 : vector<16xf32> to vector<16xf32>
    %sub3A_171 = arith.subf %get3A_167, %get3A_170 : vector<16xf32>
    %abs3A_172 = math.absf %sub3A_171 : vector<16xf32>
    %add3A_173 = arith.addf %add3A_145, %abs3A_172 : vector<16xf32>
    %get3A_174 = arith.constant 0 : index
    %get3A_175 = tpu.vector_load %arg11[%get3A_174] {strides = array<i32>} : memref<128xf32, #tpu.memory_space<vmem>>, vector<16xf32>,
    %get3A_176 = vector.shape_cast %get3A_175 : vector<16xf32> to vector<16xf32>
    %get3A_177 = arith.constant 0 : index
    %get3A_178 = tpu.vector_load %arg13[%get3A_177] {strides = array<i32>} : memref<128xf32, #tpu.memory_space<vmem>>, vector<16xf32>,
    %get3A_179 = vector.shape_cast %get3A_178 : vector<16xf32> to vector<16xf32>
    %sub3A_180 = arith.subf %get3A_176, %get3A_179 : vector<16xf32>
    %abs3A_181 = math.absf %sub3A_180 : vector<16xf32>
    %add3A_182 = arith.addf %add3A_154, %abs3A_181 : vector<16xf32>
    %get3A_183 = arith.constant 16 : index
    %get3A_184 = tpu.vector_load %arg10[%get3A_183] {strides = array<i32>} : memref<128xf32, #tpu.memory_space<vmem>>, vector<16xf32>,
    %get3A_185 = vector.shape_cast %get3A_184 : vector<16xf32> to vector<16xf32>
    %get3A_186 = arith.constant 16 : index
    %get3A_187 = tpu.vector_load %arg12[%get3A_186] {strides = array<i32>} : memref<128xf32, #tpu.memory_space<vmem>>, vector<16xf32>,
    %get3A_188 = vector.shape_cast %get3A_187 : vector<16xf32> to vector<16xf32>
    %sub3A_189 = arith.subf %get3A_185, %get3A_188 : vector<16xf32>
    %abs3A_190 = math.absf %sub3A_189 : vector<16xf32>
    %add3A_191 = arith.addf %add3A_173, %abs3A_190 : vector<16xf32>
    %get3A_192 = arith.constant 16 : index
    %get3A_193 = tpu.vector_load %arg11[%get3A_192] {strides = array<i32>} : memref<128xf32, #tpu.memory_space<vmem>>, vector<16xf32>,
    %get3A_194 = vector.shape_cast %get3A_193 : vector<16xf32> to vector<16xf32>
    %get3A_195 = arith.constant 16 : index
    %get3A_196 = tpu.vector_load %arg13[%get3A_195] {strides = array<i32>} : memref<128xf32, #tpu.memory_space<vmem>>, vector<16xf32>,
    %get3A_197 = vector.shape_cast %get3A_196 : vector<16xf32> to vector<16xf32>
    %sub3A_198 = arith.subf %get3A_194, %get3A_197 : vector<16xf32>
    %abs3A_199 = math.absf %sub3A_198 : vector<16xf32>
    %add3A_200 = arith.addf %add3A_182, %abs3A_199 : vector<16xf32>
    %get3A_201 = arith.constant 32 : index
    %get3A_202 = tpu.vector_load %arg10[%get3A_201] {strides = array<i32>} : memref<128xf32, #tpu.memory_space<vmem>>, vector<16xf32>,
    %get3A_203 = vector.shape_cast %get3A_202 : vector<16xf32> to vector<16xf32>
    %get3A_204 = arith.constant 32 : index
    %get3A_205 = tpu.vector_load %arg12[%get3A_204] {strides = array<i32>} : memref<128xf32, #tpu.memory_space<vmem>>, vector<16xf32>,
    %get3A_206 = vector.shape_cast %get3A_205 : vector<16xf32> to vector<16xf32>
    %sub3A_207 = arith.subf %get3A_203, %get3A_206 : vector<16xf32>
    %abs3A_208 = math.absf %sub3A_207 : vector<16xf32>
    %add3A_209 = arith.addf %add3A_191, %abs3A_208 : vector<16xf32>
    %get3A_210 = arith.constant 32 : index
    %get3A_211 = tpu.vector_load %arg11[%get3A_210] {strides = array<i32>} : memref<128xf32, #tpu.memory_space<vmem>>, vector<16xf32>,
    %get3A_212 = vector.shape_cast %get3A_211 : vector<16xf32> to vector<16xf32>
    %get3A_213 = arith.constant 32 : index
    %get3A_214 = tpu.vector_load %arg13[%get3A_213] {strides = array<i32>} : memref<128xf32, #tpu.memory_space<vmem>>, vector<16xf32>,
    %get3A_215 = vector.shape_cast %get3A_214 : vector<16xf32> to vector<16xf32>
    %sub3A_216 = arith.subf %get3A_212, %get3A_215 : vector<16xf32>
    %abs3A_217 = math.absf %sub3A_216 : vector<16xf32>
    %add3A_218 = arith.addf %add3A_200, %abs3A_217 : vector<16xf32>
    %get3A_219 = arith.constant 48 : index
    %get3A_220 = tpu.vector_load %arg10[%get3A_219] {strides = array<i32>} : memref<128xf32, #tpu.memory_space<vmem>>, vector<16xf32>,
    %get3A_221 = vector.shape_cast %get3A_220 : vector<16xf32> to vector<16xf32>
    %get3A_222 = arith.constant 48 : index
    %get3A_223 = tpu.vector_load %arg12[%get3A_222] {strides = array<i32>} : memref<128xf32, #tpu.memory_space<vmem>>, vector<16xf32>,
    %get3A_224 = vector.shape_cast %get3A_223 : vector<16xf32> to vector<16xf32>
    %sub3A_225 = arith.subf %get3A_221, %get3A_224 : vector<16xf32>
    %abs3A_226 = math.absf %sub3A_225 : vector<16xf32>
    %add3A_227 = arith.addf %add3A_209, %abs3A_226 : vector<16xf32>
    %get3A_228 = arith.constant 48 : index
    %get3A_229 = tpu.vector_load %arg11[%get3A_228] {strides = array<i32>} : memref<128xf32, #tpu.memory_space<vmem>>, vector<16xf32>,
    %get3A_230 = vector.shape_cast %get3A_229 : vector<16xf32> to vector<16xf32>
    %get3A_231 = arith.constant 48 : index
    %get3A_232 = tpu.vector_load %arg13[%get3A_231] {strides = array<i32>} : memref<128xf32, #tpu.memory_space<vmem>>, vector<16xf32>,
    %get3A_233 = vector.shape_cast %get3A_232 : vector<16xf32> to vector<16xf32>
    %sub3A_234 = arith.subf %get3A_230, %get3A_233 : vector<16xf32>
    %abs3A_235 = math.absf %sub3A_234 : vector<16xf32>
    %add3A_236 = arith.addf %add3A_218, %abs3A_235 : vector<16xf32>
    %get3A_237 = arith.constant 64 : index
    %get3A_238 = tpu.vector_load %arg10[%get3A_237] {strides = array<i32>} : memref<128xf32, #tpu.memory_space<vmem>>, vector<16xf32>,
    %get3A_239 = vector.shape_cast %get3A_238 : vector<16xf32> to vector<16xf32>
    %get3A_240 = arith.constant 64 : index
    %get3A_241 = tpu.vector_load %arg12[%get3A_240] {strides = array<i32>} : memref<128xf32, #tpu.memory_space<vmem>>, vector<16xf32>,
    %get3A_242 = vector.shape_cast %get3A_241 : vector<16xf32> to vector<16xf32>
    %sub3A_243 = arith.subf %get3A_239, %get3A_242 : vector<16xf32>
    %abs3A_244 = math.absf %sub3A_243 : vector<16xf32>
    %add3A_245 = arith.addf %add3A_227, %abs3A_244 : vector<16xf32>
    %get3A_246 = arith.constant 64 : index
    %get3A_247 = tpu.vector_load %arg11[%get3A_246] {strides = array<i32>} : memref<128xf32, #tpu.memory_space<vmem>>, vector<16xf32>,
    %get3A_248 = vector.shape_cast %get3A_247 : vector<16xf32> to vector<16xf32>
    %get3A_249 = arith.constant 64 : index
    %get3A_250 = tpu.vector_load %arg13[%get3A_249] {strides = array<i32>} : memref<128xf32, #tpu.memory_space<vmem>>, vector<16xf32>,
    %get3A_251 = vector.shape_cast %get3A_250 : vector<16xf32> to vector<16xf32>
    %sub3A_252 = arith.subf %get3A_248, %get3A_251 : vector<16xf32>
    %abs3A_253 = math.absf %sub3A_252 : vector<16xf32>
    %add3A_254 = arith.addf %add3A_236, %abs3A_253 : vector<16xf32>
    %get3A_255 = arith.constant 80 : index
    %get3A_256 = tpu.vector_load %arg10[%get3A_255] {strides = array<i32>} : memref<128xf32, #tpu.memory_space<vmem>>, vector<16xf32>,
    %get3A_257 = vector.shape_cast %get3A_256 : vector<16xf32> to vector<16xf32>
    %get3A_258 = arith.constant 80 : index
    %get3A_259 = tpu.vector_load %arg12[%get3A_258] {strides = array<i32>} : memref<128xf32, #tpu.memory_space<vmem>>, vector<16xf32>,
    %get3A_260 = vector.shape_cast %get3A_259 : vector<16xf32> to vector<16xf32>
    %sub3A_261 = arith.subf %get3A_257, %get3A_260 : vector<16xf32>
    %abs3A_262 = math.absf %sub3A_261 : vector<16xf32>
    %add3A_263 = arith.addf %add3A_245, %abs3A_262 : vector<16xf32>
    %get3A_264 = arith.constant 80 : index
    %get3A_265 = tpu.vector_load %arg11[%get3A_264] {strides = array<i32>} : memref<128xf32, #tpu.memory_space<vmem>>, vector<16xf32>,
    %get3A_266 = vector.shape_cast %get3A_265 : vector<16xf32> to vector<16xf32>
    %get3A_267 = arith.constant 80 : index
    %get3A_268 = tpu.vector_load %arg13[%get3A_267] {strides = array<i32>} : memref<128xf32, #tpu.memory_space<vmem>>, vector<16xf32>,
    %get3A_269 = vector.shape_cast %get3A_268 : vector<16xf32> to vector<16xf32>
    %sub3A_270 = arith.subf %get3A_266, %get3A_269 : vector<16xf32>
    %abs3A_271 = math.absf %sub3A_270 : vector<16xf32>
    %add3A_272 = arith.addf %add3A_254, %abs3A_271 : vector<16xf32>
    %get3A_273 = arith.constant 96 : index
    %get3A_274 = tpu.vector_load %arg10[%get3A_273] {strides = array<i32>} : memref<128xf32, #tpu.memory_space<vmem>>, vector<16xf32>,
    %get3A_275 = vector.shape_cast %get3A_274 : vector<16xf32> to vector<16xf32>
    %get3A_276 = arith.constant 96 : index
    %get3A_277 = tpu.vector_load %arg12[%get3A_276] {strides = array<i32>} : memref<128xf32, #tpu.memory_space<vmem>>, vector<16xf32>,
    %get3A_278 = vector.shape_cast %get3A_277 : vector<16xf32> to vector<16xf32>
    %sub3A_279 = arith.subf %get3A_275, %get3A_278 : vector<16xf32>
    %abs3A_280 = math.absf %sub3A_279 : vector<16xf32>
    %add3A_281 = arith.addf %add3A_263, %abs3A_280 : vector<16xf32>
    %get3A_282 = arith.constant 96 : index
    %get3A_283 = tpu.vector_load %arg11[%get3A_282] {strides = array<i32>} : memref<128xf32, #tpu.memory_space<vmem>>, vector<16xf32>,
    %get3A_284 = vector.shape_cast %get3A_283 : vector<16xf32> to vector<16xf32>
    %get3A_285 = arith.constant 96 : index
    %get3A_286 = tpu.vector_load %arg13[%get3A_285] {strides = array<i32>} : memref<128xf32, #tpu.memory_space<vmem>>, vector<16xf32>,
    %get3A_287 = vector.shape_cast %get3A_286 : vector<16xf32> to vector<16xf32>
    %sub3A_288 = arith.subf %get3A_284, %get3A_287 : vector<16xf32>
    %abs3A_289 = math.absf %sub3A_288 : vector<16xf32>
    %add3A_290 = arith.addf %add3A_272, %abs3A_289 : vector<16xf32>
    %get3A_291 = arith.constant 112 : index
    %get3A_292 = tpu.vector_load %arg10[%get3A_291] {strides = array<i32>} : memref<128xf32, #tpu.memory_space<vmem>>, vector<16xf32>,
    %get3A_293 = vector.shape_cast %get3A_292 : vector<16xf32> to vector<16xf32>
    %get3A_294 = arith.constant 112 : index
    %get3A_295 = tpu.vector_load %arg12[%get3A_294] {strides = array<i32>} : memref<128xf32, #tpu.memory_space<vmem>>, vector<16xf32>,
    %get3A_296 = vector.shape_cast %get3A_295 : vector<16xf32> to vector<16xf32>
    %sub3A_297 = arith.subf %get3A_293, %get3A_296 : vector<16xf32>
    %abs3A_298 = math.absf %sub3A_297 : vector<16xf32>
    %add3A_299 = arith.addf %add3A_281, %abs3A_298 : vector<16xf32>
    %get3A_300 = arith.constant 112 : index
    %get3A_301 = tpu.vector_load %arg11[%get3A_300] {strides = array<i32>} : memref<128xf32, #tpu.memory_space<vmem>>, vector<16xf32>,
    %get3A_302 = vector.shape_cast %get3A_301 : vector<16xf32> to vector<16xf32>
    %get3A_303 = arith.constant 112 : index
    %get3A_304 = tpu.vector_load %arg13[%get3A_303] {strides = array<i32>} : memref<128xf32, #tpu.memory_space<vmem>>, vector<16xf32>,
    %get3A_305 = vector.shape_cast %get3A_304 : vector<16xf32> to vector<16xf32>
    %sub3A_306 = arith.subf %get3A_302, %get3A_305 : vector<16xf32>
    %abs3A_307 = math.absf %sub3A_306 : vector<16xf32>
    %add3A_308 = arith.addf %add3A_290, %abs3A_307 : vector<16xf32>
    %swap3A = arith.constant 0 : index
    %swap3A_309 = tpu.vector_load %arg14[%swap3A] {strides = array<i32>} : memref<64xf32, #tpu.memory_space<vmem>>, vector<16xf32>,
    %swap3A_310 = vector.shape_cast %swap3A_309 : vector<16xf32> to vector<16xf32>
    %swap3A_311 = vector.shape_cast %add3A_299 : vector<16xf32> to vector<16xf32>
    tpu.vector_store %arg14[%swap3A], %swap3A_311 {strides = array<i32>} : memref<64xf32, #tpu.memory_space<vmem>>, vector<16xf32>,
    %swap3A_312 = arith.constant 16 : index
    %swap3A_313 = tpu.vector_load %arg14[%swap3A_312] {strides = array<i32>} : memref<64xf32, #tpu.memory_space<vmem>>, vector<16xf32>,
    %swap3A_314 = vector.shape_cast %swap3A_313 : vector<16xf32> to vector<16xf32>
    %swap3A_315 = vector.shape_cast %add3A_308 : vector<16xf32> to vector<16xf32>
    tpu.vector_store %arg14[%swap3A_312], %swap3A_315 {strides = array<i32>} : memref<64xf32, #tpu.memory_space<vmem>>, vector<16xf32>,
    %broadcast_in_dim3A_316 = arith.constant 0.000000e+00 : f32
    %broadcast_in_dim3A_317 = vector.broadcast %broadcast_in_dim3A_316 : f32 to vector<16xf32>
    %broadcast_in_dim3A_318 = arith.constant 0.000000e+00 : f32
    %broadcast_in_dim3A_319 = vector.broadcast %broadcast_in_dim3A_318 : f32 to vector<16xf32>
    %add3A_320 = arith.constant 0 : i32
    %add3A_321 = arith.addi %mul3A_2, %add3A_320 : i32
    "tpu.region"() ({
      %run_scoped3A = tpu.sem_alloc : memref<!tpu.dma_semaphore, #tpu.memory_space<semaphore_mem>>
      %dma_start3A_636 = tpu.memref_slice %arg7[%add3A_321] : memref<8192xi32, #tpu.memory_space<hbm>> -> memref<128xi32, #tpu.memory_space<hbm>>
      %dma_start3A_637 = tpu.memref_slice %arg7[%add3A_321] : memref<8192xi32, #tpu.memory_space<hbm>> -> memref<128xi32, #tpu.memory_space<hbm>>
      tpu.enqueue_dma source(%dma_start3A_637 : memref<128xi32, #tpu.memory_space<hbm>>) target(%arg9 : memref<128xi32, #tpu.memory_space<vmem>>) target_semaphore(%run_scoped3A : memref<!tpu.dma_semaphore, #tpu.memory_space<semaphore_mem>>)
      %dma_wait3A_638 = tpu.memref_slice %arg7[%add3A_321] : memref<8192xi32, #tpu.memory_space<hbm>> -> memref<128xi32, #tpu.memory_space<hbm>>
      %dma_wait3A_639 = tpu.memref_slice %arg7[%add3A_321] : memref<8192xi32, #tpu.memory_space<hbm>> -> memref<128xi32, #tpu.memory_space<hbm>>
      tpu.wait_dma2 semaphore(%run_scoped3A : memref<!tpu.dma_semaphore, #tpu.memory_space<semaphore_mem>>) src(%dma_wait3A_639 : memref<128xi32, #tpu.memory_space<hbm>>) dst(%arg9 : memref<128xi32, #tpu.memory_space<vmem>>)
      tpu.yield
    }) : () -> ()
    "tpu.region"() ({
      %run_scoped3A = tpu.sem_alloc : memref<!tpu.dma_semaphore, #tpu.memory_space<semaphore_mem>>
      %dma_start3A_636 = tpu.memref_slice %arg4[%add3A_321] : memref<8192xf32, #tpu.memory_space<hbm>> -> memref<128xf32, #tpu.memory_space<hbm>>
      %dma_start3A_637 = tpu.memref_slice %arg4[%add3A_321] : memref<8192xf32, #tpu.memory_space<hbm>> -> memref<128xf32, #tpu.memory_space<hbm>>
      tpu.enqueue_dma source(%dma_start3A_637 : memref<128xf32, #tpu.memory_space<hbm>>) target(%arg10 : memref<128xf32, #tpu.memory_space<vmem>>) target_semaphore(%run_scoped3A : memref<!tpu.dma_semaphore, #tpu.memory_space<semaphore_mem>>)
      %dma_wait3A_638 = tpu.memref_slice %arg4[%add3A_321] : memref<8192xf32, #tpu.memory_space<hbm>> -> memref<128xf32, #tpu.memory_space<hbm>>
      %dma_wait3A_639 = tpu.memref_slice %arg4[%add3A_321] : memref<8192xf32, #tpu.memory_space<hbm>> -> memref<128xf32, #tpu.memory_space<hbm>>
      tpu.wait_dma2 semaphore(%run_scoped3A : memref<!tpu.dma_semaphore, #tpu.memory_space<semaphore_mem>>) src(%dma_wait3A_639 : memref<128xf32, #tpu.memory_space<hbm>>) dst(%arg10 : memref<128xf32, #tpu.memory_space<vmem>>)
      tpu.yield
    }) : () -> ()
    "tpu.region"() ({
      %run_scoped3A = tpu.sem_alloc : memref<!tpu.dma_semaphore, #tpu.memory_space<semaphore_mem>>
      %dma_start3A_636 = tpu.memref_slice %arg5[%add3A_321] : memref<8192xf32, #tpu.memory_space<hbm>> -> memref<128xf32, #tpu.memory_space<hbm>>
      %dma_start3A_637 = tpu.memref_slice %arg5[%add3A_321] : memref<8192xf32, #tpu.memory_space<hbm>> -> memref<128xf32, #tpu.memory_space<hbm>>
      tpu.enqueue_dma source(%dma_start3A_637 : memref<128xf32, #tpu.memory_space<hbm>>) target(%arg11 : memref<128xf32, #tpu.memory_space<vmem>>) target_semaphore(%run_scoped3A : memref<!tpu.dma_semaphore, #tpu.memory_space<semaphore_mem>>)
      %dma_wait3A_638 = tpu.memref_slice %arg5[%add3A_321] : memref<8192xf32, #tpu.memory_space<hbm>> -> memref<128xf32, #tpu.memory_space<hbm>>
      %dma_wait3A_639 = tpu.memref_slice %arg5[%add3A_321] : memref<8192xf32, #tpu.memory_space<hbm>> -> memref<128xf32, #tpu.memory_space<hbm>>
      tpu.wait_dma2 semaphore(%run_scoped3A : memref<!tpu.dma_semaphore, #tpu.memory_space<semaphore_mem>>) src(%dma_wait3A_639 : memref<128xf32, #tpu.memory_space<hbm>>) dst(%arg11 : memref<128xf32, #tpu.memory_space<vmem>>)
      tpu.yield
    }) : () -> ()
    %dma_start3A_322 = arith.constant 0 : i32
    %dma_start3A_323 = tpu.memref_slice %arg2[%dma_start3A_322] : memref<8192xf32, #tpu.memory_space<hbm>> -> memref<8192xf32, #tpu.memory_space<hbm>>
    tpu.enqueue_indirect_dma source(%dma_start3A_323 : memref<8192xf32, #tpu.memory_space<hbm>>) target(%arg12 : memref<128xf32, #tpu.memory_space<vmem>>) offsets(%arg9 : memref<128xi32, #tpu.memory_space<vmem>>) semaphore(%arg15 : memref<!tpu.dma_semaphore, #tpu.memory_space<semaphore_mem>>)
    %dma_wait3A_324 = arith.constant 0 : i32
    %dma_wait3A_325 = tpu.memref_slice %arg2[%dma_wait3A_324] : memref<8192xf32, #tpu.memory_space<hbm>> -> memref<8192xf32, #tpu.memory_space<hbm>>
    tpu.wait_indirect_dma semaphore(%arg15 : memref<!tpu.dma_semaphore, #tpu.memory_space<semaphore_mem>>) src(%dma_wait3A_325 : memref<8192xf32, #tpu.memory_space<hbm>>) dst(%arg12 : memref<128xf32, #tpu.memory_space<vmem>>)
    %dma_start3A_326 = arith.constant 0 : i32
    %dma_start3A_327 = tpu.memref_slice %arg3[%dma_start3A_326] : memref<8192xf32, #tpu.memory_space<hbm>> -> memref<8192xf32, #tpu.memory_space<hbm>>
    tpu.enqueue_indirect_dma source(%dma_start3A_327 : memref<8192xf32, #tpu.memory_space<hbm>>) target(%arg13 : memref<128xf32, #tpu.memory_space<vmem>>) offsets(%arg9 : memref<128xi32, #tpu.memory_space<vmem>>) semaphore(%arg15 : memref<!tpu.dma_semaphore, #tpu.memory_space<semaphore_mem>>)
    %dma_wait3A_328 = arith.constant 0 : i32
    %dma_wait3A_329 = tpu.memref_slice %arg3[%dma_wait3A_328] : memref<8192xf32, #tpu.memory_space<hbm>> -> memref<8192xf32, #tpu.memory_space<hbm>>
    tpu.wait_indirect_dma semaphore(%arg15 : memref<!tpu.dma_semaphore, #tpu.memory_space<semaphore_mem>>) src(%dma_wait3A_329 : memref<8192xf32, #tpu.memory_space<hbm>>) dst(%arg13 : memref<128xf32, #tpu.memory_space<vmem>>)
    %get3A_330 = arith.constant 0 : index
    %get3A_331 = tpu.vector_load %arg10[%get3A_330] {strides = array<i32>} : memref<128xf32, #tpu.memory_space<vmem>>, vector<16xf32>,
    %get3A_332 = vector.shape_cast %get3A_331 : vector<16xf32> to vector<16xf32>
    %get3A_333 = arith.constant 0 : index
    %get3A_334 = tpu.vector_load %arg12[%get3A_333] {strides = array<i32>} : memref<128xf32, #tpu.memory_space<vmem>>, vector<16xf32>,
    %get3A_335 = vector.shape_cast %get3A_334 : vector<16xf32> to vector<16xf32>
    %sub3A_336 = arith.subf %get3A_332, %get3A_335 : vector<16xf32>
    %abs3A_337 = math.absf %sub3A_336 : vector<16xf32>
    %add3A_338 = arith.addf %broadcast_in_dim3A_317, %abs3A_337 : vector<16xf32>
    %get3A_339 = arith.constant 0 : index
    %get3A_340 = tpu.vector_load %arg11[%get3A_339] {strides = array<i32>} : memref<128xf32, #tpu.memory_space<vmem>>, vector<16xf32>,
    %get3A_341 = vector.shape_cast %get3A_340 : vector<16xf32> to vector<16xf32>
    %get3A_342 = arith.constant 0 : index
    %get3A_343 = tpu.vector_load %arg13[%get3A_342] {strides = array<i32>} : memref<128xf32, #tpu.memory_space<vmem>>, vector<16xf32>,
    %get3A_344 = vector.shape_cast %get3A_343 : vector<16xf32> to vector<16xf32>
    %sub3A_345 = arith.subf %get3A_341, %get3A_344 : vector<16xf32>
    %abs3A_346 = math.absf %sub3A_345 : vector<16xf32>
    %add3A_347 = arith.addf %broadcast_in_dim3A_319, %abs3A_346 : vector<16xf32>
    %get3A_348 = arith.constant 16 : index
    %get3A_349 = tpu.vector_load %arg10[%get3A_348] {strides = array<i32>} : memref<128xf32, #tpu.memory_space<vmem>>, vector<16xf32>,
    %get3A_350 = vector.shape_cast %get3A_349 : vector<16xf32> to vector<16xf32>
    %get3A_351 = arith.constant 16 : index
    %get3A_352 = tpu.vector_load %arg12[%get3A_351] {strides = array<i32>} : memref<128xf32, #tpu.memory_space<vmem>>, vector<16xf32>,
    %get3A_353 = vector.shape_cast %get3A_352 : vector<16xf32> to vector<16xf32>
    %sub3A_354 = arith.subf %get3A_350, %get3A_353 : vector<16xf32>
    %abs3A_355 = math.absf %sub3A_354 : vector<16xf32>
    %add3A_356 = arith.addf %add3A_338, %abs3A_355 : vector<16xf32>
    %get3A_357 = arith.constant 16 : index
    %get3A_358 = tpu.vector_load %arg11[%get3A_357] {strides = array<i32>} : memref<128xf32, #tpu.memory_space<vmem>>, vector<16xf32>,
    %get3A_359 = vector.shape_cast %get3A_358 : vector<16xf32> to vector<16xf32>
    %get3A_360 = arith.constant 16 : index
    %get3A_361 = tpu.vector_load %arg13[%get3A_360] {strides = array<i32>} : memref<128xf32, #tpu.memory_space<vmem>>, vector<16xf32>,
    %get3A_362 = vector.shape_cast %get3A_361 : vector<16xf32> to vector<16xf32>
    %sub3A_363 = arith.subf %get3A_359, %get3A_362 : vector<16xf32>
    %abs3A_364 = math.absf %sub3A_363 : vector<16xf32>
    %add3A_365 = arith.addf %add3A_347, %abs3A_364 : vector<16xf32>
    %get3A_366 = arith.constant 32 : index
    %get3A_367 = tpu.vector_load %arg10[%get3A_366] {strides = array<i32>} : memref<128xf32, #tpu.memory_space<vmem>>, vector<16xf32>,
    %get3A_368 = vector.shape_cast %get3A_367 : vector<16xf32> to vector<16xf32>
    %get3A_369 = arith.constant 32 : index
    %get3A_370 = tpu.vector_load %arg12[%get3A_369] {strides = array<i32>} : memref<128xf32, #tpu.memory_space<vmem>>, vector<16xf32>,
    %get3A_371 = vector.shape_cast %get3A_370 : vector<16xf32> to vector<16xf32>
    %sub3A_372 = arith.subf %get3A_368, %get3A_371 : vector<16xf32>
    %abs3A_373 = math.absf %sub3A_372 : vector<16xf32>
    %add3A_374 = arith.addf %add3A_356, %abs3A_373 : vector<16xf32>
    %get3A_375 = arith.constant 32 : index
    %get3A_376 = tpu.vector_load %arg11[%get3A_375] {strides = array<i32>} : memref<128xf32, #tpu.memory_space<vmem>>, vector<16xf32>,
    %get3A_377 = vector.shape_cast %get3A_376 : vector<16xf32> to vector<16xf32>
    %get3A_378 = arith.constant 32 : index
    %get3A_379 = tpu.vector_load %arg13[%get3A_378] {strides = array<i32>} : memref<128xf32, #tpu.memory_space<vmem>>, vector<16xf32>,
    %get3A_380 = vector.shape_cast %get3A_379 : vector<16xf32> to vector<16xf32>
    %sub3A_381 = arith.subf %get3A_377, %get3A_380 : vector<16xf32>
    %abs3A_382 = math.absf %sub3A_381 : vector<16xf32>
    %add3A_383 = arith.addf %add3A_365, %abs3A_382 : vector<16xf32>
    %get3A_384 = arith.constant 48 : index
    %get3A_385 = tpu.vector_load %arg10[%get3A_384] {strides = array<i32>} : memref<128xf32, #tpu.memory_space<vmem>>, vector<16xf32>,
    %get3A_386 = vector.shape_cast %get3A_385 : vector<16xf32> to vector<16xf32>
    %get3A_387 = arith.constant 48 : index
    %get3A_388 = tpu.vector_load %arg12[%get3A_387] {strides = array<i32>} : memref<128xf32, #tpu.memory_space<vmem>>, vector<16xf32>,
    %get3A_389 = vector.shape_cast %get3A_388 : vector<16xf32> to vector<16xf32>
    %sub3A_390 = arith.subf %get3A_386, %get3A_389 : vector<16xf32>
    %abs3A_391 = math.absf %sub3A_390 : vector<16xf32>
    %add3A_392 = arith.addf %add3A_374, %abs3A_391 : vector<16xf32>
    %get3A_393 = arith.constant 48 : index
    %get3A_394 = tpu.vector_load %arg11[%get3A_393] {strides = array<i32>} : memref<128xf32, #tpu.memory_space<vmem>>, vector<16xf32>,
    %get3A_395 = vector.shape_cast %get3A_394 : vector<16xf32> to vector<16xf32>
    %get3A_396 = arith.constant 48 : index
    %get3A_397 = tpu.vector_load %arg13[%get3A_396] {strides = array<i32>} : memref<128xf32, #tpu.memory_space<vmem>>, vector<16xf32>,
    %get3A_398 = vector.shape_cast %get3A_397 : vector<16xf32> to vector<16xf32>
    %sub3A_399 = arith.subf %get3A_395, %get3A_398 : vector<16xf32>
    %abs3A_400 = math.absf %sub3A_399 : vector<16xf32>
    %add3A_401 = arith.addf %add3A_383, %abs3A_400 : vector<16xf32>
    %get3A_402 = arith.constant 64 : index
    %get3A_403 = tpu.vector_load %arg10[%get3A_402] {strides = array<i32>} : memref<128xf32, #tpu.memory_space<vmem>>, vector<16xf32>,
    %get3A_404 = vector.shape_cast %get3A_403 : vector<16xf32> to vector<16xf32>
    %get3A_405 = arith.constant 64 : index
    %get3A_406 = tpu.vector_load %arg12[%get3A_405] {strides = array<i32>} : memref<128xf32, #tpu.memory_space<vmem>>, vector<16xf32>,
    %get3A_407 = vector.shape_cast %get3A_406 : vector<16xf32> to vector<16xf32>
    %sub3A_408 = arith.subf %get3A_404, %get3A_407 : vector<16xf32>
    %abs3A_409 = math.absf %sub3A_408 : vector<16xf32>
    %add3A_410 = arith.addf %add3A_392, %abs3A_409 : vector<16xf32>
    %get3A_411 = arith.constant 64 : index
    %get3A_412 = tpu.vector_load %arg11[%get3A_411] {strides = array<i32>} : memref<128xf32, #tpu.memory_space<vmem>>, vector<16xf32>,
    %get3A_413 = vector.shape_cast %get3A_412 : vector<16xf32> to vector<16xf32>
    %get3A_414 = arith.constant 64 : index
    %get3A_415 = tpu.vector_load %arg13[%get3A_414] {strides = array<i32>} : memref<128xf32, #tpu.memory_space<vmem>>, vector<16xf32>,
    %get3A_416 = vector.shape_cast %get3A_415 : vector<16xf32> to vector<16xf32>
    %sub3A_417 = arith.subf %get3A_413, %get3A_416 : vector<16xf32>
    %abs3A_418 = math.absf %sub3A_417 : vector<16xf32>
    %add3A_419 = arith.addf %add3A_401, %abs3A_418 : vector<16xf32>
    %get3A_420 = arith.constant 80 : index
    %get3A_421 = tpu.vector_load %arg10[%get3A_420] {strides = array<i32>} : memref<128xf32, #tpu.memory_space<vmem>>, vector<16xf32>,
    %get3A_422 = vector.shape_cast %get3A_421 : vector<16xf32> to vector<16xf32>
    %get3A_423 = arith.constant 80 : index
    %get3A_424 = tpu.vector_load %arg12[%get3A_423] {strides = array<i32>} : memref<128xf32, #tpu.memory_space<vmem>>, vector<16xf32>,
    %get3A_425 = vector.shape_cast %get3A_424 : vector<16xf32> to vector<16xf32>
    %sub3A_426 = arith.subf %get3A_422, %get3A_425 : vector<16xf32>
    %abs3A_427 = math.absf %sub3A_426 : vector<16xf32>
    %add3A_428 = arith.addf %add3A_410, %abs3A_427 : vector<16xf32>
    %get3A_429 = arith.constant 80 : index
    %get3A_430 = tpu.vector_load %arg11[%get3A_429] {strides = array<i32>} : memref<128xf32, #tpu.memory_space<vmem>>, vector<16xf32>,
    %get3A_431 = vector.shape_cast %get3A_430 : vector<16xf32> to vector<16xf32>
    %get3A_432 = arith.constant 80 : index
    %get3A_433 = tpu.vector_load %arg13[%get3A_432] {strides = array<i32>} : memref<128xf32, #tpu.memory_space<vmem>>, vector<16xf32>,
    %get3A_434 = vector.shape_cast %get3A_433 : vector<16xf32> to vector<16xf32>
    %sub3A_435 = arith.subf %get3A_431, %get3A_434 : vector<16xf32>
    %abs3A_436 = math.absf %sub3A_435 : vector<16xf32>
    %add3A_437 = arith.addf %add3A_419, %abs3A_436 : vector<16xf32>
    %get3A_438 = arith.constant 96 : index
    %get3A_439 = tpu.vector_load %arg10[%get3A_438] {strides = array<i32>} : memref<128xf32, #tpu.memory_space<vmem>>, vector<16xf32>,
    %get3A_440 = vector.shape_cast %get3A_439 : vector<16xf32> to vector<16xf32>
    %get3A_441 = arith.constant 96 : index
    %get3A_442 = tpu.vector_load %arg12[%get3A_441] {strides = array<i32>} : memref<128xf32, #tpu.memory_space<vmem>>, vector<16xf32>,
    %get3A_443 = vector.shape_cast %get3A_442 : vector<16xf32> to vector<16xf32>
    %sub3A_444 = arith.subf %get3A_440, %get3A_443 : vector<16xf32>
    %abs3A_445 = math.absf %sub3A_444 : vector<16xf32>
    %add3A_446 = arith.addf %add3A_428, %abs3A_445 : vector<16xf32>
    %get3A_447 = arith.constant 96 : index
    %get3A_448 = tpu.vector_load %arg11[%get3A_447] {strides = array<i32>} : memref<128xf32, #tpu.memory_space<vmem>>, vector<16xf32>,
    %get3A_449 = vector.shape_cast %get3A_448 : vector<16xf32> to vector<16xf32>
    %get3A_450 = arith.constant 96 : index
    %get3A_451 = tpu.vector_load %arg13[%get3A_450] {strides = array<i32>} : memref<128xf32, #tpu.memory_space<vmem>>, vector<16xf32>,
    %get3A_452 = vector.shape_cast %get3A_451 : vector<16xf32> to vector<16xf32>
    %sub3A_453 = arith.subf %get3A_449, %get3A_452 : vector<16xf32>
    %abs3A_454 = math.absf %sub3A_453 : vector<16xf32>
    %add3A_455 = arith.addf %add3A_437, %abs3A_454 : vector<16xf32>
    %get3A_456 = arith.constant 112 : index
    %get3A_457 = tpu.vector_load %arg10[%get3A_456] {strides = array<i32>} : memref<128xf32, #tpu.memory_space<vmem>>, vector<16xf32>,
    %get3A_458 = vector.shape_cast %get3A_457 : vector<16xf32> to vector<16xf32>
    %get3A_459 = arith.constant 112 : index
    %get3A_460 = tpu.vector_load %arg12[%get3A_459] {strides = array<i32>} : memref<128xf32, #tpu.memory_space<vmem>>, vector<16xf32>,
    %get3A_461 = vector.shape_cast %get3A_460 : vector<16xf32> to vector<16xf32>
    %sub3A_462 = arith.subf %get3A_458, %get3A_461 : vector<16xf32>
    %abs3A_463 = math.absf %sub3A_462 : vector<16xf32>
    %add3A_464 = arith.addf %add3A_446, %abs3A_463 : vector<16xf32>
    %get3A_465 = arith.constant 112 : index
    %get3A_466 = tpu.vector_load %arg11[%get3A_465] {strides = array<i32>} : memref<128xf32, #tpu.memory_space<vmem>>, vector<16xf32>,
    %get3A_467 = vector.shape_cast %get3A_466 : vector<16xf32> to vector<16xf32>
    %get3A_468 = arith.constant 112 : index
    %get3A_469 = tpu.vector_load %arg13[%get3A_468] {strides = array<i32>} : memref<128xf32, #tpu.memory_space<vmem>>, vector<16xf32>,
    %get3A_470 = vector.shape_cast %get3A_469 : vector<16xf32> to vector<16xf32>
    %sub3A_471 = arith.subf %get3A_467, %get3A_470 : vector<16xf32>
    %abs3A_472 = math.absf %sub3A_471 : vector<16xf32>
    %add3A_473 = arith.addf %add3A_455, %abs3A_472 : vector<16xf32>
    %add3A_474 = arith.constant 128 : i32
    %add3A_475 = arith.addi %mul3A_2, %add3A_474 : i32
    "tpu.region"() ({
      %run_scoped3A = tpu.sem_alloc : memref<!tpu.dma_semaphore, #tpu.memory_space<semaphore_mem>>
      %dma_start3A_636 = tpu.memref_slice %arg7[%add3A_475] : memref<8192xi32, #tpu.memory_space<hbm>> -> memref<128xi32, #tpu.memory_space<hbm>>
      %dma_start3A_637 = tpu.memref_slice %arg7[%add3A_475] : memref<8192xi32, #tpu.memory_space<hbm>> -> memref<128xi32, #tpu.memory_space<hbm>>
      tpu.enqueue_dma source(%dma_start3A_637 : memref<128xi32, #tpu.memory_space<hbm>>) target(%arg9 : memref<128xi32, #tpu.memory_space<vmem>>) target_semaphore(%run_scoped3A : memref<!tpu.dma_semaphore, #tpu.memory_space<semaphore_mem>>)
      %dma_wait3A_638 = tpu.memref_slice %arg7[%add3A_475] : memref<8192xi32, #tpu.memory_space<hbm>> -> memref<128xi32, #tpu.memory_space<hbm>>
      %dma_wait3A_639 = tpu.memref_slice %arg7[%add3A_475] : memref<8192xi32, #tpu.memory_space<hbm>> -> memref<128xi32, #tpu.memory_space<hbm>>
      tpu.wait_dma2 semaphore(%run_scoped3A : memref<!tpu.dma_semaphore, #tpu.memory_space<semaphore_mem>>) src(%dma_wait3A_639 : memref<128xi32, #tpu.memory_space<hbm>>) dst(%arg9 : memref<128xi32, #tpu.memory_space<vmem>>)
      tpu.yield
    }) : () -> ()
    "tpu.region"() ({
      %run_scoped3A = tpu.sem_alloc : memref<!tpu.dma_semaphore, #tpu.memory_space<semaphore_mem>>
      %dma_start3A_636 = tpu.memref_slice %arg4[%add3A_475] : memref<8192xf32, #tpu.memory_space<hbm>> -> memref<128xf32, #tpu.memory_space<hbm>>
      %dma_start3A_637 = tpu.memref_slice %arg4[%add3A_475] : memref<8192xf32, #tpu.memory_space<hbm>> -> memref<128xf32, #tpu.memory_space<hbm>>
      tpu.enqueue_dma source(%dma_start3A_637 : memref<128xf32, #tpu.memory_space<hbm>>) target(%arg10 : memref<128xf32, #tpu.memory_space<vmem>>) target_semaphore(%run_scoped3A : memref<!tpu.dma_semaphore, #tpu.memory_space<semaphore_mem>>)
      %dma_wait3A_638 = tpu.memref_slice %arg4[%add3A_475] : memref<8192xf32, #tpu.memory_space<hbm>> -> memref<128xf32, #tpu.memory_space<hbm>>
      %dma_wait3A_639 = tpu.memref_slice %arg4[%add3A_475] : memref<8192xf32, #tpu.memory_space<hbm>> -> memref<128xf32, #tpu.memory_space<hbm>>
      tpu.wait_dma2 semaphore(%run_scoped3A : memref<!tpu.dma_semaphore, #tpu.memory_space<semaphore_mem>>) src(%dma_wait3A_639 : memref<128xf32, #tpu.memory_space<hbm>>) dst(%arg10 : memref<128xf32, #tpu.memory_space<vmem>>)
      tpu.yield
    }) : () -> ()
    "tpu.region"() ({
      %run_scoped3A = tpu.sem_alloc : memref<!tpu.dma_semaphore, #tpu.memory_space<semaphore_mem>>
      %dma_start3A_636 = tpu.memref_slice %arg5[%add3A_475] : memref<8192xf32, #tpu.memory_space<hbm>> -> memref<128xf32, #tpu.memory_space<hbm>>
      %dma_start3A_637 = tpu.memref_slice %arg5[%add3A_475] : memref<8192xf32, #tpu.memory_space<hbm>> -> memref<128xf32, #tpu.memory_space<hbm>>
      tpu.enqueue_dma source(%dma_start3A_637 : memref<128xf32, #tpu.memory_space<hbm>>) target(%arg11 : memref<128xf32, #tpu.memory_space<vmem>>) target_semaphore(%run_scoped3A : memref<!tpu.dma_semaphore, #tpu.memory_space<semaphore_mem>>)
      %dma_wait3A_638 = tpu.memref_slice %arg5[%add3A_475] : memref<8192xf32, #tpu.memory_space<hbm>> -> memref<128xf32, #tpu.memory_space<hbm>>
      %dma_wait3A_639 = tpu.memref_slice %arg5[%add3A_475] : memref<8192xf32, #tpu.memory_space<hbm>> -> memref<128xf32, #tpu.memory_space<hbm>>
      tpu.wait_dma2 semaphore(%run_scoped3A : memref<!tpu.dma_semaphore, #tpu.memory_space<semaphore_mem>>) src(%dma_wait3A_639 : memref<128xf32, #tpu.memory_space<hbm>>) dst(%arg11 : memref<128xf32, #tpu.memory_space<vmem>>)
      tpu.yield
    }) : () -> ()
    %dma_start3A_476 = arith.constant 0 : i32
    %dma_start3A_477 = tpu.memref_slice %arg2[%dma_start3A_476] : memref<8192xf32, #tpu.memory_space<hbm>> -> memref<8192xf32, #tpu.memory_space<hbm>>
    tpu.enqueue_indirect_dma source(%dma_start3A_477 : memref<8192xf32, #tpu.memory_space<hbm>>) target(%arg12 : memref<128xf32, #tpu.memory_space<vmem>>) offsets(%arg9 : memref<128xi32, #tpu.memory_space<vmem>>) semaphore(%arg15 : memref<!tpu.dma_semaphore, #tpu.memory_space<semaphore_mem>>)
    %dma_wait3A_478 = arith.constant 0 : i32
    %dma_wait3A_479 = tpu.memref_slice %arg2[%dma_wait3A_478] : memref<8192xf32, #tpu.memory_space<hbm>> -> memref<8192xf32, #tpu.memory_space<hbm>>
    tpu.wait_indirect_dma semaphore(%arg15 : memref<!tpu.dma_semaphore, #tpu.memory_space<semaphore_mem>>) src(%dma_wait3A_479 : memref<8192xf32, #tpu.memory_space<hbm>>) dst(%arg12 : memref<128xf32, #tpu.memory_space<vmem>>)
    %dma_start3A_480 = arith.constant 0 : i32
    %dma_start3A_481 = tpu.memref_slice %arg3[%dma_start3A_480] : memref<8192xf32, #tpu.memory_space<hbm>> -> memref<8192xf32, #tpu.memory_space<hbm>>
    tpu.enqueue_indirect_dma source(%dma_start3A_481 : memref<8192xf32, #tpu.memory_space<hbm>>) target(%arg13 : memref<128xf32, #tpu.memory_space<vmem>>) offsets(%arg9 : memref<128xi32, #tpu.memory_space<vmem>>) semaphore(%arg15 : memref<!tpu.dma_semaphore, #tpu.memory_space<semaphore_mem>>)
    %dma_wait3A_482 = arith.constant 0 : i32
    %dma_wait3A_483 = tpu.memref_slice %arg3[%dma_wait3A_482] : memref<8192xf32, #tpu.memory_space<hbm>> -> memref<8192xf32, #tpu.memory_space<hbm>>
    tpu.wait_indirect_dma semaphore(%arg15 : memref<!tpu.dma_semaphore, #tpu.memory_space<semaphore_mem>>) src(%dma_wait3A_483 : memref<8192xf32, #tpu.memory_space<hbm>>) dst(%arg13 : memref<128xf32, #tpu.memory_space<vmem>>)
    %get3A_484 = arith.constant 0 : index
    %get3A_485 = tpu.vector_load %arg10[%get3A_484] {strides = array<i32>} : memref<128xf32, #tpu.memory_space<vmem>>, vector<16xf32>,
    %get3A_486 = vector.shape_cast %get3A_485 : vector<16xf32> to vector<16xf32>
    %get3A_487 = arith.constant 0 : index
    %get3A_488 = tpu.vector_load %arg12[%get3A_487] {strides = array<i32>} : memref<128xf32, #tpu.memory_space<vmem>>, vector<16xf32>,
    %get3A_489 = vector.shape_cast %get3A_488 : vector<16xf32> to vector<16xf32>
    %sub3A_490 = arith.subf %get3A_486, %get3A_489 : vector<16xf32>
    %abs3A_491 = math.absf %sub3A_490 : vector<16xf32>
    %add3A_492 = arith.addf %add3A_464, %abs3A_491 : vector<16xf32>
    %get3A_493 = arith.constant 0 : index
    %get3A_494 = tpu.vector_load %arg11[%get3A_493] {strides = array<i32>} : memref<128xf32, #tpu.memory_space<vmem>>, vector<16xf32>,
    %get3A_495 = vector.shape_cast %get3A_494 : vector<16xf32> to vector<16xf32>
    %get3A_496 = arith.constant 0 : index
    %get3A_497 = tpu.vector_load %arg13[%get3A_496] {strides = array<i32>} : memref<128xf32, #tpu.memory_space<vmem>>, vector<16xf32>,
    %get3A_498 = vector.shape_cast %get3A_497 : vector<16xf32> to vector<16xf32>
    %sub3A_499 = arith.subf %get3A_495, %get3A_498 : vector<16xf32>
    %abs3A_500 = math.absf %sub3A_499 : vector<16xf32>
    %add3A_501 = arith.addf %add3A_473, %abs3A_500 : vector<16xf32>
    %get3A_502 = arith.constant 16 : index
    %get3A_503 = tpu.vector_load %arg10[%get3A_502] {strides = array<i32>} : memref<128xf32, #tpu.memory_space<vmem>>, vector<16xf32>,
    %get3A_504 = vector.shape_cast %get3A_503 : vector<16xf32> to vector<16xf32>
    %get3A_505 = arith.constant 16 : index
    %get3A_506 = tpu.vector_load %arg12[%get3A_505] {strides = array<i32>} : memref<128xf32, #tpu.memory_space<vmem>>, vector<16xf32>,
    %get3A_507 = vector.shape_cast %get3A_506 : vector<16xf32> to vector<16xf32>
    %sub3A_508 = arith.subf %get3A_504, %get3A_507 : vector<16xf32>
    %abs3A_509 = math.absf %sub3A_508 : vector<16xf32>
    %add3A_510 = arith.addf %add3A_492, %abs3A_509 : vector<16xf32>
    %get3A_511 = arith.constant 16 : index
    %get3A_512 = tpu.vector_load %arg11[%get3A_511] {strides = array<i32>} : memref<128xf32, #tpu.memory_space<vmem>>, vector<16xf32>,
    %get3A_513 = vector.shape_cast %get3A_512 : vector<16xf32> to vector<16xf32>
    %get3A_514 = arith.constant 16 : index
    %get3A_515 = tpu.vector_load %arg13[%get3A_514] {strides = array<i32>} : memref<128xf32, #tpu.memory_space<vmem>>, vector<16xf32>,
    %get3A_516 = vector.shape_cast %get3A_515 : vector<16xf32> to vector<16xf32>
    %sub3A_517 = arith.subf %get3A_513, %get3A_516 : vector<16xf32>
    %abs3A_518 = math.absf %sub3A_517 : vector<16xf32>
    %add3A_519 = arith.addf %add3A_501, %abs3A_518 : vector<16xf32>
    %get3A_520 = arith.constant 32 : index
    %get3A_521 = tpu.vector_load %arg10[%get3A_520] {strides = array<i32>} : memref<128xf32, #tpu.memory_space<vmem>>, vector<16xf32>,
    %get3A_522 = vector.shape_cast %get3A_521 : vector<16xf32> to vector<16xf32>
    %get3A_523 = arith.constant 32 : index
    %get3A_524 = tpu.vector_load %arg12[%get3A_523] {strides = array<i32>} : memref<128xf32, #tpu.memory_space<vmem>>, vector<16xf32>,
    %get3A_525 = vector.shape_cast %get3A_524 : vector<16xf32> to vector<16xf32>
    %sub3A_526 = arith.subf %get3A_522, %get3A_525 : vector<16xf32>
    %abs3A_527 = math.absf %sub3A_526 : vector<16xf32>
    %add3A_528 = arith.addf %add3A_510, %abs3A_527 : vector<16xf32>
    %get3A_529 = arith.constant 32 : index
    %get3A_530 = tpu.vector_load %arg11[%get3A_529] {strides = array<i32>} : memref<128xf32, #tpu.memory_space<vmem>>, vector<16xf32>,
    %get3A_531 = vector.shape_cast %get3A_530 : vector<16xf32> to vector<16xf32>
    %get3A_532 = arith.constant 32 : index
    %get3A_533 = tpu.vector_load %arg13[%get3A_532] {strides = array<i32>} : memref<128xf32, #tpu.memory_space<vmem>>, vector<16xf32>,
    %get3A_534 = vector.shape_cast %get3A_533 : vector<16xf32> to vector<16xf32>
    %sub3A_535 = arith.subf %get3A_531, %get3A_534 : vector<16xf32>
    %abs3A_536 = math.absf %sub3A_535 : vector<16xf32>
    %add3A_537 = arith.addf %add3A_519, %abs3A_536 : vector<16xf32>
    %get3A_538 = arith.constant 48 : index
    %get3A_539 = tpu.vector_load %arg10[%get3A_538] {strides = array<i32>} : memref<128xf32, #tpu.memory_space<vmem>>, vector<16xf32>,
    %get3A_540 = vector.shape_cast %get3A_539 : vector<16xf32> to vector<16xf32>
    %get3A_541 = arith.constant 48 : index
    %get3A_542 = tpu.vector_load %arg12[%get3A_541] {strides = array<i32>} : memref<128xf32, #tpu.memory_space<vmem>>, vector<16xf32>,
    %get3A_543 = vector.shape_cast %get3A_542 : vector<16xf32> to vector<16xf32>
    %sub3A_544 = arith.subf %get3A_540, %get3A_543 : vector<16xf32>
    %abs3A_545 = math.absf %sub3A_544 : vector<16xf32>
    %add3A_546 = arith.addf %add3A_528, %abs3A_545 : vector<16xf32>
    %get3A_547 = arith.constant 48 : index
    %get3A_548 = tpu.vector_load %arg11[%get3A_547] {strides = array<i32>} : memref<128xf32, #tpu.memory_space<vmem>>, vector<16xf32>,
    %get3A_549 = vector.shape_cast %get3A_548 : vector<16xf32> to vector<16xf32>
    %get3A_550 = arith.constant 48 : index
    %get3A_551 = tpu.vector_load %arg13[%get3A_550] {strides = array<i32>} : memref<128xf32, #tpu.memory_space<vmem>>, vector<16xf32>,
    %get3A_552 = vector.shape_cast %get3A_551 : vector<16xf32> to vector<16xf32>
    %sub3A_553 = arith.subf %get3A_549, %get3A_552 : vector<16xf32>
    %abs3A_554 = math.absf %sub3A_553 : vector<16xf32>
    %add3A_555 = arith.addf %add3A_537, %abs3A_554 : vector<16xf32>
    %get3A_556 = arith.constant 64 : index
    %get3A_557 = tpu.vector_load %arg10[%get3A_556] {strides = array<i32>} : memref<128xf32, #tpu.memory_space<vmem>>, vector<16xf32>,
    %get3A_558 = vector.shape_cast %get3A_557 : vector<16xf32> to vector<16xf32>
    %get3A_559 = arith.constant 64 : index
    %get3A_560 = tpu.vector_load %arg12[%get3A_559] {strides = array<i32>} : memref<128xf32, #tpu.memory_space<vmem>>, vector<16xf32>,
    %get3A_561 = vector.shape_cast %get3A_560 : vector<16xf32> to vector<16xf32>
    %sub3A_562 = arith.subf %get3A_558, %get3A_561 : vector<16xf32>
    %abs3A_563 = math.absf %sub3A_562 : vector<16xf32>
    %add3A_564 = arith.addf %add3A_546, %abs3A_563 : vector<16xf32>
    %get3A_565 = arith.constant 64 : index
    %get3A_566 = tpu.vector_load %arg11[%get3A_565] {strides = array<i32>} : memref<128xf32, #tpu.memory_space<vmem>>, vector<16xf32>,
    %get3A_567 = vector.shape_cast %get3A_566 : vector<16xf32> to vector<16xf32>
    %get3A_568 = arith.constant 64 : index
    %get3A_569 = tpu.vector_load %arg13[%get3A_568] {strides = array<i32>} : memref<128xf32, #tpu.memory_space<vmem>>, vector<16xf32>,
    %get3A_570 = vector.shape_cast %get3A_569 : vector<16xf32> to vector<16xf32>
    %sub3A_571 = arith.subf %get3A_567, %get3A_570 : vector<16xf32>
    %abs3A_572 = math.absf %sub3A_571 : vector<16xf32>
    %add3A_573 = arith.addf %add3A_555, %abs3A_572 : vector<16xf32>
    %get3A_574 = arith.constant 80 : index
    %get3A_575 = tpu.vector_load %arg10[%get3A_574] {strides = array<i32>} : memref<128xf32, #tpu.memory_space<vmem>>, vector<16xf32>,
    %get3A_576 = vector.shape_cast %get3A_575 : vector<16xf32> to vector<16xf32>
    %get3A_577 = arith.constant 80 : index
    %get3A_578 = tpu.vector_load %arg12[%get3A_577] {strides = array<i32>} : memref<128xf32, #tpu.memory_space<vmem>>, vector<16xf32>,
    %get3A_579 = vector.shape_cast %get3A_578 : vector<16xf32> to vector<16xf32>
    %sub3A_580 = arith.subf %get3A_576, %get3A_579 : vector<16xf32>
    %abs3A_581 = math.absf %sub3A_580 : vector<16xf32>
    %add3A_582 = arith.addf %add3A_564, %abs3A_581 : vector<16xf32>
    %get3A_583 = arith.constant 80 : index
    %get3A_584 = tpu.vector_load %arg11[%get3A_583] {strides = array<i32>} : memref<128xf32, #tpu.memory_space<vmem>>, vector<16xf32>,
    %get3A_585 = vector.shape_cast %get3A_584 : vector<16xf32> to vector<16xf32>
    %get3A_586 = arith.constant 80 : index
    %get3A_587 = tpu.vector_load %arg13[%get3A_586] {strides = array<i32>} : memref<128xf32, #tpu.memory_space<vmem>>, vector<16xf32>,
    %get3A_588 = vector.shape_cast %get3A_587 : vector<16xf32> to vector<16xf32>
    %sub3A_589 = arith.subf %get3A_585, %get3A_588 : vector<16xf32>
    %abs3A_590 = math.absf %sub3A_589 : vector<16xf32>
    %add3A_591 = arith.addf %add3A_573, %abs3A_590 : vector<16xf32>
    %get3A_592 = arith.constant 96 : index
    %get3A_593 = tpu.vector_load %arg10[%get3A_592] {strides = array<i32>} : memref<128xf32, #tpu.memory_space<vmem>>, vector<16xf32>,
    %get3A_594 = vector.shape_cast %get3A_593 : vector<16xf32> to vector<16xf32>
    %get3A_595 = arith.constant 96 : index
    %get3A_596 = tpu.vector_load %arg12[%get3A_595] {strides = array<i32>} : memref<128xf32, #tpu.memory_space<vmem>>, vector<16xf32>,
    %get3A_597 = vector.shape_cast %get3A_596 : vector<16xf32> to vector<16xf32>
    %sub3A_598 = arith.subf %get3A_594, %get3A_597 : vector<16xf32>
    %abs3A_599 = math.absf %sub3A_598 : vector<16xf32>
    %add3A_600 = arith.addf %add3A_582, %abs3A_599 : vector<16xf32>
    %get3A_601 = arith.constant 96 : index
    %get3A_602 = tpu.vector_load %arg11[%get3A_601] {strides = array<i32>} : memref<128xf32, #tpu.memory_space<vmem>>, vector<16xf32>,
    %get3A_603 = vector.shape_cast %get3A_602 : vector<16xf32> to vector<16xf32>
    %get3A_604 = arith.constant 96 : index
    %get3A_605 = tpu.vector_load %arg13[%get3A_604] {strides = array<i32>} : memref<128xf32, #tpu.memory_space<vmem>>, vector<16xf32>,
    %get3A_606 = vector.shape_cast %get3A_605 : vector<16xf32> to vector<16xf32>
    %sub3A_607 = arith.subf %get3A_603, %get3A_606 : vector<16xf32>
    %abs3A_608 = math.absf %sub3A_607 : vector<16xf32>
    %add3A_609 = arith.addf %add3A_591, %abs3A_608 : vector<16xf32>
    %get3A_610 = arith.constant 112 : index
    %get3A_611 = tpu.vector_load %arg10[%get3A_610] {strides = array<i32>} : memref<128xf32, #tpu.memory_space<vmem>>, vector<16xf32>,
    %get3A_612 = vector.shape_cast %get3A_611 : vector<16xf32> to vector<16xf32>
    %get3A_613 = arith.constant 112 : index
    %get3A_614 = tpu.vector_load %arg12[%get3A_613] {strides = array<i32>} : memref<128xf32, #tpu.memory_space<vmem>>, vector<16xf32>,
    %get3A_615 = vector.shape_cast %get3A_614 : vector<16xf32> to vector<16xf32>
    %sub3A_616 = arith.subf %get3A_612, %get3A_615 : vector<16xf32>
    %abs3A_617 = math.absf %sub3A_616 : vector<16xf32>
    %add3A_618 = arith.addf %add3A_600, %abs3A_617 : vector<16xf32>
    %get3A_619 = arith.constant 112 : index
    %get3A_620 = tpu.vector_load %arg11[%get3A_619] {strides = array<i32>} : memref<128xf32, #tpu.memory_space<vmem>>, vector<16xf32>,
    %get3A_621 = vector.shape_cast %get3A_620 : vector<16xf32> to vector<16xf32>
    %get3A_622 = arith.constant 112 : index
    %get3A_623 = tpu.vector_load %arg13[%get3A_622] {strides = array<i32>} : memref<128xf32, #tpu.memory_space<vmem>>, vector<16xf32>,
    %get3A_624 = vector.shape_cast %get3A_623 : vector<16xf32> to vector<16xf32>
    %sub3A_625 = arith.subf %get3A_621, %get3A_624 : vector<16xf32>
    %abs3A_626 = math.absf %sub3A_625 : vector<16xf32>
    %add3A_627 = arith.addf %add3A_609, %abs3A_626 : vector<16xf32>
    %swap3A_628 = arith.constant 32 : index
    %swap3A_629 = tpu.vector_load %arg14[%swap3A_628] {strides = array<i32>} : memref<64xf32, #tpu.memory_space<vmem>>, vector<16xf32>,
    %swap3A_630 = vector.shape_cast %swap3A_629 : vector<16xf32> to vector<16xf32>
    %swap3A_631 = vector.shape_cast %add3A_618 : vector<16xf32> to vector<16xf32>
    tpu.vector_store %arg14[%swap3A_628], %swap3A_631 {strides = array<i32>} : memref<64xf32, #tpu.memory_space<vmem>>, vector<16xf32>,
    %swap3A_632 = arith.constant 48 : index
    %swap3A_633 = tpu.vector_load %arg14[%swap3A_632] {strides = array<i32>} : memref<64xf32, #tpu.memory_space<vmem>>, vector<16xf32>,
    %swap3A_634 = vector.shape_cast %swap3A_633 : vector<16xf32> to vector<16xf32>
    %swap3A_635 = vector.shape_cast %add3A_627 : vector<16xf32> to vector<16xf32>
    tpu.vector_store %arg14[%swap3A_632], %swap3A_635 {strides = array<i32>} : memref<64xf32, #tpu.memory_space<vmem>>, vector<16xf32>,
    "tpu.region"() ({
      %run_scoped3A = tpu.sem_alloc : memref<!tpu.dma_semaphore, #tpu.memory_space<semaphore_mem>>
      %dma_start3A_636 = arith.constant 0 : i32
      %dma_start3A_637 = tpu.memref_slice %arg8[%add3A, %dma_start3A_636] : memref<32x64xf32, #tpu.memory_space<hbm>> -> memref<1x64xf32, #tpu.memory_space<hbm>>
      %dma_start3A_638 = tpu.memref_squeeze %dma_start3A_637 : memref<1x64xf32, #tpu.memory_space<hbm>> -> memref<64xf32, #tpu.memory_space<hbm>>
      %dma_start3A_639 = arith.constant 0 : i32
      %dma_start3A_640 = tpu.memref_slice %arg8[%add3A, %dma_start3A_639] : memref<32x64xf32, #tpu.memory_space<hbm>> -> memref<1x64xf32, #tpu.memory_space<hbm>>
      %dma_start3A_641 = tpu.memref_squeeze %dma_start3A_640 : memref<1x64xf32, #tpu.memory_space<hbm>> -> memref<64xf32, #tpu.memory_space<hbm>>
      tpu.enqueue_dma source(%arg14 : memref<64xf32, #tpu.memory_space<vmem>>) target(%dma_start3A_641 : memref<64xf32, #tpu.memory_space<hbm>>) target_semaphore(%run_scoped3A : memref<!tpu.dma_semaphore, #tpu.memory_space<semaphore_mem>>)
      %dma_wait3A_642 = arith.constant 0 : i32
      %dma_wait3A_643 = tpu.memref_slice %arg8[%add3A, %dma_wait3A_642] : memref<32x64xf32, #tpu.memory_space<hbm>> -> memref<1x64xf32, #tpu.memory_space<hbm>>
      %dma_wait3A_644 = tpu.memref_squeeze %dma_wait3A_643 : memref<1x64xf32, #tpu.memory_space<hbm>> -> memref<64xf32, #tpu.memory_space<hbm>>
      %dma_wait3A_645 = arith.constant 0 : i32
      %dma_wait3A_646 = tpu.memref_slice %arg8[%add3A, %dma_wait3A_645] : memref<32x64xf32, #tpu.memory_space<hbm>> -> memref<1x64xf32, #tpu.memory_space<hbm>>
      %dma_wait3A_647 = tpu.memref_squeeze %dma_wait3A_646 : memref<1x64xf32, #tpu.memory_space<hbm>> -> memref<64xf32, #tpu.memory_space<hbm>>
      tpu.wait_dma2 semaphore(%run_scoped3A : memref<!tpu.dma_semaphore, #tpu.memory_space<semaphore_mem>>) src(%arg14 : memref<64xf32, #tpu.memory_space<vmem>>) dst(%dma_wait3A_647 : memref<64xf32, #tpu.memory_space<hbm>>)
      tpu.yield
    }) : () -> ()
    return
  }
}

module attributes {stable_mosaic.version = 14 : i64} {
  func.func @_nn_tc_body(%arg0: i32, %arg1: memref<1024x2xf32, #tpu.memory_space<vmem>>, %arg2: memref<2x2x8192xf32, #tpu.memory_space<vmem>>, %arg3: memref<1x1x1024xi32, #tpu.memory_space<vmem>>, %arg4: memref<2x8x8192xbf16, #tpu.memory_space<vmem>>) attributes {dimension_semantics = [#tpu.dimension_semantics<arbitrary>], iteration_bounds = array<i64: 16>, scalar_prefetch = 0 : i64, scratch_operands = 1 : i64, tpu.core_type = #tpu.core_type<tc>, window_params = [{transform_indices = @transform_0, window_bounds = array<i64: 1024, 2>}, {pipeline_mode = #tpu.pipeline_mode<synchronous>, transform_indices = @transform_1, window_bounds = array<i64: 2, 2, 8192>}, {transform_indices = @transform_2, window_bounds = array<i64: 1, 1, 1024>}]} {
    %eq3A = arith.constant 0 : i32
    %eq3A_0 = arith.cmpi eq, %arg0, %eq3A : i32
    %convert_element_type3A = arith.extui %eq3A_0 : i1 to i32
    %cond3A = arith.constant 0 : i32
    %cond3A_1 = arith.cmpi ne, %convert_element_type3A, %cond3A : i32
    scf.if %cond3A_1 {
      %get3A_448 = arith.constant 0 : index
      %get3A_449 = arith.constant 0 : index
      %get3A_450 = arith.constant 0 : index
      %get3A_451 = vector.load %arg2[%get3A_448, %get3A_449, %get3A_450] : memref<2x2x8192xf32, #tpu.memory_space<vmem>>, vector<1x1x8192xf32>
      %get3A_452 = vector.shape_cast %get3A_451 : vector<1x1x8192xf32> to vector<1x8192xf32>
      %get3A_453 = arith.constant 0 : index
      %get3A_454 = arith.constant 1 : index
      %get3A_455 = arith.constant 0 : index
      %get3A_456 = vector.load %arg2[%get3A_453, %get3A_454, %get3A_455] : memref<2x2x8192xf32, #tpu.memory_space<vmem>>, vector<1x1x8192xf32>
      %get3A_457 = vector.shape_cast %get3A_456 : vector<1x1x8192xf32> to vector<1x8192xf32>
      %mul3A_458 = arith.mulf %get3A_452, %get3A_452 : vector<1x8192xf32>
      %mul3A_459 = arith.mulf %get3A_457, %get3A_457 : vector<1x8192xf32>
      %add3A_460 = arith.addf %mul3A_458, %mul3A_459 : vector<1x8192xf32>
      %convert_element_type3A_461 = arith.truncf %add3A_460 : vector<1x8192xf32> to vector<1x8192xbf16>
      %convert_element_type3A_462 = arith.extf %convert_element_type3A_461 : vector<1x8192xbf16> to vector<1x8192xf32>
      %sub3A_463 = arith.subf %add3A_460, %convert_element_type3A_462 : vector<1x8192xf32>
      %convert_element_type3A_464 = arith.truncf %sub3A_463 : vector<1x8192xf32> to vector<1x8192xbf16>
      %convert_element_type3A_465 = arith.extf %convert_element_type3A_464 : vector<1x8192xbf16> to vector<1x8192xf32>
      %sub3A_466 = arith.subf %sub3A_463, %convert_element_type3A_465 : vector<1x8192xf32>
      %convert_element_type3A_467 = arith.truncf %sub3A_466 : vector<1x8192xf32> to vector<1x8192xbf16>
      %iota3A_468 = tpu.iota {dimensions = array<i32: 0>} : vector<8x8192xi32>
      %eq3A_469 = arith.constant 0 : i32
      %eq3A_470 = vector.broadcast %eq3A_469 : i32 to vector<8x8192xi32>
      %eq3A_471 = arith.cmpi eq, %iota3A_468, %eq3A_470 : vector<8x8192xi32>
      %mul3A_472 = arith.constant -2.000000e+00 : f32
      %mul3A_473 = vector.broadcast %mul3A_472 : f32 to vector<1x8192xf32>
      %mul3A_474 = arith.mulf %mul3A_473, %get3A_452 : vector<1x8192xf32>
      %convert_element_type3A_475 = arith.truncf %mul3A_474 : vector<1x8192xf32> to vector<1x8192xbf16>
      %convert_element_type3A_476 = arith.extf %convert_element_type3A_475 : vector<1x8192xbf16> to vector<1x8192xf32>
      %eq3A_477 = arith.constant 1 : i32
      %eq3A_478 = vector.broadcast %eq3A_477 : i32 to vector<8x8192xi32>
      %eq3A_479 = arith.cmpi eq, %iota3A_468, %eq3A_478 : vector<8x8192xi32>
      %mul3A_480 = arith.constant -2.000000e+00 : f32
      %mul3A_481 = vector.broadcast %mul3A_480 : f32 to vector<1x8192xf32>
      %mul3A_482 = arith.mulf %mul3A_481, %get3A_457 : vector<1x8192xf32>
      %convert_element_type3A_483 = arith.truncf %mul3A_482 : vector<1x8192xf32> to vector<1x8192xbf16>
      %convert_element_type3A_484 = arith.extf %convert_element_type3A_483 : vector<1x8192xbf16> to vector<1x8192xf32>
      %eq3A_485 = arith.constant 2 : i32
      %eq3A_486 = vector.broadcast %eq3A_485 : i32 to vector<8x8192xi32>
      %eq3A_487 = arith.cmpi eq, %iota3A_468, %eq3A_486 : vector<8x8192xi32>
      %convert_element_type3A_488 = arith.extf %convert_element_type3A_461 : vector<1x8192xbf16> to vector<1x8192xf32>
      %eq3A_489 = arith.constant 3 : i32
      %eq3A_490 = vector.broadcast %eq3A_489 : i32 to vector<8x8192xi32>
      %eq3A_491 = arith.cmpi eq, %iota3A_468, %eq3A_490 : vector<8x8192xi32>
      %convert_element_type3A_492 = arith.extf %convert_element_type3A_464 : vector<1x8192xbf16> to vector<1x8192xf32>
      %eq3A_493 = arith.constant 4 : i32
      %eq3A_494 = vector.broadcast %eq3A_493 : i32 to vector<8x8192xi32>
      %eq3A_495 = arith.cmpi eq, %iota3A_468, %eq3A_494 : vector<8x8192xi32>
      %convert_element_type3A_496 = arith.extf %convert_element_type3A_467 : vector<1x8192xbf16> to vector<1x8192xf32>
      %jit3A_497 = arith.constant 0.000000e+00 : f32
      %broadcast_in_dim3A_498 = vector.shape_cast %convert_element_type3A_496 : vector<1x8192xf32> to vector<1x8192xf32>
      %broadcast_in_dim3A_499 = vector.broadcast %broadcast_in_dim3A_498 : vector<1x8192xf32> to vector<8x8192xf32>
      %broadcast_in_dim3A_500 = vector.broadcast %jit3A_497 : f32 to vector<8x8192xf32>
      %select_n3A_501 = arith.select %eq3A_495, %broadcast_in_dim3A_499, %broadcast_in_dim3A_500 : vector<8x8192xi1>, vector<8x8192xf32>
      %broadcast_in_dim3A_502 = vector.shape_cast %convert_element_type3A_492 : vector<1x8192xf32> to vector<1x8192xf32>
      %broadcast_in_dim3A_503 = vector.broadcast %broadcast_in_dim3A_502 : vector<1x8192xf32> to vector<8x8192xf32>
      %select_n3A_504 = arith.select %eq3A_491, %broadcast_in_dim3A_503, %select_n3A_501 : vector<8x8192xi1>, vector<8x8192xf32>
      %broadcast_in_dim3A_505 = vector.shape_cast %convert_element_type3A_488 : vector<1x8192xf32> to vector<1x8192xf32>
      %broadcast_in_dim3A_506 = vector.broadcast %broadcast_in_dim3A_505 : vector<1x8192xf32> to vector<8x8192xf32>
      %select_n3A_507 = arith.select %eq3A_487, %broadcast_in_dim3A_506, %select_n3A_504 : vector<8x8192xi1>, vector<8x8192xf32>
      %broadcast_in_dim3A_508 = vector.shape_cast %convert_element_type3A_484 : vector<1x8192xf32> to vector<1x8192xf32>
      %broadcast_in_dim3A_509 = vector.broadcast %broadcast_in_dim3A_508 : vector<1x8192xf32> to vector<8x8192xf32>
      %select_n3A_510 = arith.select %eq3A_479, %broadcast_in_dim3A_509, %select_n3A_507 : vector<8x8192xi1>, vector<8x8192xf32>
      %broadcast_in_dim3A_511 = vector.shape_cast %convert_element_type3A_476 : vector<1x8192xf32> to vector<1x8192xf32>
      %broadcast_in_dim3A_512 = vector.broadcast %broadcast_in_dim3A_511 : vector<1x8192xf32> to vector<8x8192xf32>
      %select_n3A_513 = arith.select %eq3A_471, %broadcast_in_dim3A_512, %select_n3A_510 : vector<8x8192xi1>, vector<8x8192xf32>
      %convert_element_type3A_514 = arith.truncf %select_n3A_513 : vector<8x8192xf32> to vector<8x8192xbf16>
      %swap3A_515 = arith.constant 0 : index
      %swap3A_516 = arith.constant 0 : index
      %swap3A_517 = arith.constant 0 : index
      %swap3A_518 = vector.load %arg4[%swap3A_515, %swap3A_516, %swap3A_517] : memref<2x8x8192xbf16, #tpu.memory_space<vmem>>, vector<1x8x8192xbf16>
      %swap3A_519 = vector.shape_cast %swap3A_518 : vector<1x8x8192xbf16> to vector<8x8192xbf16>
      %swap3A_520 = vector.shape_cast %convert_element_type3A_514 : vector<8x8192xbf16> to vector<1x8x8192xbf16>
      tpu.vector_store %arg4[%swap3A_515, %swap3A_516, %swap3A_517], %swap3A_520 {strides = array<i32>} : memref<2x8x8192xbf16, #tpu.memory_space<vmem>>, vector<1x8x8192xbf16>,
      %get3A_521 = arith.constant 1 : index
      %get3A_522 = arith.constant 0 : index
      %get3A_523 = arith.constant 0 : index
      %get3A_524 = vector.load %arg2[%get3A_521, %get3A_522, %get3A_523] : memref<2x2x8192xf32, #tpu.memory_space<vmem>>, vector<1x1x8192xf32>
      %get3A_525 = vector.shape_cast %get3A_524 : vector<1x1x8192xf32> to vector<1x8192xf32>
      %get3A_526 = arith.constant 1 : index
      %get3A_527 = arith.constant 1 : index
      %get3A_528 = arith.constant 0 : index
      %get3A_529 = vector.load %arg2[%get3A_526, %get3A_527, %get3A_528] : memref<2x2x8192xf32, #tpu.memory_space<vmem>>, vector<1x1x8192xf32>
      %get3A_530 = vector.shape_cast %get3A_529 : vector<1x1x8192xf32> to vector<1x8192xf32>
      %mul3A_531 = arith.mulf %get3A_525, %get3A_525 : vector<1x8192xf32>
      %mul3A_532 = arith.mulf %get3A_530, %get3A_530 : vector<1x8192xf32>
      %add3A_533 = arith.addf %mul3A_531, %mul3A_532 : vector<1x8192xf32>
      %convert_element_type3A_534 = arith.truncf %add3A_533 : vector<1x8192xf32> to vector<1x8192xbf16>
      %convert_element_type3A_535 = arith.extf %convert_element_type3A_534 : vector<1x8192xbf16> to vector<1x8192xf32>
      %sub3A_536 = arith.subf %add3A_533, %convert_element_type3A_535 : vector<1x8192xf32>
      %convert_element_type3A_537 = arith.truncf %sub3A_536 : vector<1x8192xf32> to vector<1x8192xbf16>
      %convert_element_type3A_538 = arith.extf %convert_element_type3A_537 : vector<1x8192xbf16> to vector<1x8192xf32>
      %sub3A_539 = arith.subf %sub3A_536, %convert_element_type3A_538 : vector<1x8192xf32>
      %convert_element_type3A_540 = arith.truncf %sub3A_539 : vector<1x8192xf32> to vector<1x8192xbf16>
      %iota3A_541 = tpu.iota {dimensions = array<i32: 0>} : vector<8x8192xi32>
      %eq3A_542 = arith.constant 0 : i32
      %eq3A_543 = vector.broadcast %eq3A_542 : i32 to vector<8x8192xi32>
      %eq3A_544 = arith.cmpi eq, %iota3A_541, %eq3A_543 : vector<8x8192xi32>
      %mul3A_545 = arith.constant -2.000000e+00 : f32
      %mul3A_546 = vector.broadcast %mul3A_545 : f32 to vector<1x8192xf32>
      %mul3A_547 = arith.mulf %mul3A_546, %get3A_525 : vector<1x8192xf32>
      %convert_element_type3A_548 = arith.truncf %mul3A_547 : vector<1x8192xf32> to vector<1x8192xbf16>
      %convert_element_type3A_549 = arith.extf %convert_element_type3A_548 : vector<1x8192xbf16> to vector<1x8192xf32>
      %eq3A_550 = arith.constant 1 : i32
      %eq3A_551 = vector.broadcast %eq3A_550 : i32 to vector<8x8192xi32>
      %eq3A_552 = arith.cmpi eq, %iota3A_541, %eq3A_551 : vector<8x8192xi32>
      %mul3A_553 = arith.constant -2.000000e+00 : f32
      %mul3A_554 = vector.broadcast %mul3A_553 : f32 to vector<1x8192xf32>
      %mul3A_555 = arith.mulf %mul3A_554, %get3A_530 : vector<1x8192xf32>
      %convert_element_type3A_556 = arith.truncf %mul3A_555 : vector<1x8192xf32> to vector<1x8192xbf16>
      %convert_element_type3A_557 = arith.extf %convert_element_type3A_556 : vector<1x8192xbf16> to vector<1x8192xf32>
      %eq3A_558 = arith.constant 2 : i32
      %eq3A_559 = vector.broadcast %eq3A_558 : i32 to vector<8x8192xi32>
      %eq3A_560 = arith.cmpi eq, %iota3A_541, %eq3A_559 : vector<8x8192xi32>
      %convert_element_type3A_561 = arith.extf %convert_element_type3A_534 : vector<1x8192xbf16> to vector<1x8192xf32>
      %eq3A_562 = arith.constant 3 : i32
      %eq3A_563 = vector.broadcast %eq3A_562 : i32 to vector<8x8192xi32>
      %eq3A_564 = arith.cmpi eq, %iota3A_541, %eq3A_563 : vector<8x8192xi32>
      %convert_element_type3A_565 = arith.extf %convert_element_type3A_537 : vector<1x8192xbf16> to vector<1x8192xf32>
      %eq3A_566 = arith.constant 4 : i32
      %eq3A_567 = vector.broadcast %eq3A_566 : i32 to vector<8x8192xi32>
      %eq3A_568 = arith.cmpi eq, %iota3A_541, %eq3A_567 : vector<8x8192xi32>
      %convert_element_type3A_569 = arith.extf %convert_element_type3A_540 : vector<1x8192xbf16> to vector<1x8192xf32>
      %jit3A_570 = arith.constant 0.000000e+00 : f32
      %broadcast_in_dim3A_571 = vector.shape_cast %convert_element_type3A_569 : vector<1x8192xf32> to vector<1x8192xf32>
      %broadcast_in_dim3A_572 = vector.broadcast %broadcast_in_dim3A_571 : vector<1x8192xf32> to vector<8x8192xf32>
      %broadcast_in_dim3A_573 = vector.broadcast %jit3A_570 : f32 to vector<8x8192xf32>
      %select_n3A_574 = arith.select %eq3A_568, %broadcast_in_dim3A_572, %broadcast_in_dim3A_573 : vector<8x8192xi1>, vector<8x8192xf32>
      %broadcast_in_dim3A_575 = vector.shape_cast %convert_element_type3A_565 : vector<1x8192xf32> to vector<1x8192xf32>
      %broadcast_in_dim3A_576 = vector.broadcast %broadcast_in_dim3A_575 : vector<1x8192xf32> to vector<8x8192xf32>
      %select_n3A_577 = arith.select %eq3A_564, %broadcast_in_dim3A_576, %select_n3A_574 : vector<8x8192xi1>, vector<8x8192xf32>
      %broadcast_in_dim3A_578 = vector.shape_cast %convert_element_type3A_561 : vector<1x8192xf32> to vector<1x8192xf32>
      %broadcast_in_dim3A_579 = vector.broadcast %broadcast_in_dim3A_578 : vector<1x8192xf32> to vector<8x8192xf32>
      %select_n3A_580 = arith.select %eq3A_560, %broadcast_in_dim3A_579, %select_n3A_577 : vector<8x8192xi1>, vector<8x8192xf32>
      %broadcast_in_dim3A_581 = vector.shape_cast %convert_element_type3A_557 : vector<1x8192xf32> to vector<1x8192xf32>
      %broadcast_in_dim3A_582 = vector.broadcast %broadcast_in_dim3A_581 : vector<1x8192xf32> to vector<8x8192xf32>
      %select_n3A_583 = arith.select %eq3A_552, %broadcast_in_dim3A_582, %select_n3A_580 : vector<8x8192xi1>, vector<8x8192xf32>
      %broadcast_in_dim3A_584 = vector.shape_cast %convert_element_type3A_549 : vector<1x8192xf32> to vector<1x8192xf32>
      %broadcast_in_dim3A_585 = vector.broadcast %broadcast_in_dim3A_584 : vector<1x8192xf32> to vector<8x8192xf32>
      %select_n3A_586 = arith.select %eq3A_544, %broadcast_in_dim3A_585, %select_n3A_583 : vector<8x8192xi1>, vector<8x8192xf32>
      %convert_element_type3A_587 = arith.truncf %select_n3A_586 : vector<8x8192xf32> to vector<8x8192xbf16>
      %swap3A_588 = arith.constant 1 : index
      %swap3A_589 = arith.constant 0 : index
      %swap3A_590 = arith.constant 0 : index
      %swap3A_591 = vector.load %arg4[%swap3A_588, %swap3A_589, %swap3A_590] : memref<2x8x8192xbf16, #tpu.memory_space<vmem>>, vector<1x8x8192xbf16>
      %swap3A_592 = vector.shape_cast %swap3A_591 : vector<1x8x8192xbf16> to vector<8x8192xbf16>
      %swap3A_593 = vector.shape_cast %convert_element_type3A_587 : vector<8x8192xbf16> to vector<1x8x8192xbf16>
      tpu.vector_store %arg4[%swap3A_588, %swap3A_589, %swap3A_590], %swap3A_593 {strides = array<i32>} : memref<2x8x8192xbf16, #tpu.memory_space<vmem>>, vector<1x8x8192xbf16>,
    } else {
    }
    %get3A = arith.constant 0 : index
    %get3A_2 = arith.constant 0 : index
    %get3A_3 = vector.load %arg1[%get3A, %get3A_2] : memref<1024x2xf32, #tpu.memory_space<vmem>>, vector<1024x1xf32>
    %get3A_4 = arith.constant 0 : index
    %get3A_5 = arith.constant 1 : index
    %get3A_6 = vector.load %arg1[%get3A_4, %get3A_5] : memref<1024x2xf32, #tpu.memory_space<vmem>>, vector<1024x1xf32>
    %iota3A = tpu.iota {dimensions = array<i32: 1>} : vector<1024x8xi32>
    %eq3A_7 = arith.constant 0 : i32
    %eq3A_8 = vector.broadcast %eq3A_7 : i32 to vector<1024x8xi32>
    %eq3A_9 = arith.cmpi eq, %iota3A, %eq3A_8 : vector<1024x8xi32>
    %convert_element_type3A_10 = arith.truncf %get3A_3 : vector<1024x1xf32> to vector<1024x1xbf16>
    %convert_element_type3A_11 = arith.extf %convert_element_type3A_10 : vector<1024x1xbf16> to vector<1024x1xf32>
    %eq3A_12 = arith.constant 1 : i32
    %eq3A_13 = vector.broadcast %eq3A_12 : i32 to vector<1024x8xi32>
    %eq3A_14 = arith.cmpi eq, %iota3A, %eq3A_13 : vector<1024x8xi32>
    %convert_element_type3A_15 = arith.truncf %get3A_6 : vector<1024x1xf32> to vector<1024x1xbf16>
    %convert_element_type3A_16 = arith.extf %convert_element_type3A_15 : vector<1024x1xbf16> to vector<1024x1xf32>
    %lt3A = arith.constant 5 : i32
    %lt3A_17 = vector.broadcast %lt3A : i32 to vector<1024x8xi32>
    %lt3A_18 = arith.cmpi slt, %iota3A, %lt3A_17 : vector<1024x8xi32>
    %jit3A = arith.constant 1.000000e+00 : f32
    %jit3A_19 = arith.constant 0.000000e+00 : f32
    %broadcast_in_dim3A = vector.broadcast %jit3A : f32 to vector<1024x8xf32>
    %broadcast_in_dim3A_20 = vector.broadcast %jit3A_19 : f32 to vector<1024x8xf32>
    %select_n3A = arith.select %lt3A_18, %broadcast_in_dim3A, %broadcast_in_dim3A_20 : vector<1024x8xi1>, vector<1024x8xf32>
    %broadcast_in_dim3A_21 = vector.shape_cast %convert_element_type3A_16 : vector<1024x1xf32> to vector<1024x1xf32>
    %broadcast_in_dim3A_22 = vector.broadcast %broadcast_in_dim3A_21 : vector<1024x1xf32> to vector<1024x8xf32>
    %select_n3A_23 = arith.select %eq3A_14, %broadcast_in_dim3A_22, %select_n3A : vector<1024x8xi1>, vector<1024x8xf32>
    %broadcast_in_dim3A_24 = vector.shape_cast %convert_element_type3A_11 : vector<1024x1xf32> to vector<1024x1xf32>
    %broadcast_in_dim3A_25 = vector.broadcast %broadcast_in_dim3A_24 : vector<1024x1xf32> to vector<1024x8xf32>
    %select_n3A_26 = arith.select %eq3A_9, %broadcast_in_dim3A_25, %select_n3A_23 : vector<1024x8xi1>, vector<1024x8xf32>
    %convert_element_type3A_27 = arith.truncf %select_n3A_26 : vector<1024x8xf32> to vector<1024x8xbf16>
    %jit3A_28 = arith.constant 8 : i32
    %div3A = arith.divsi %arg0, %jit3A_28 : i32
    %sign3A = arith.constant 0 : i32
    %sign3A_29 = arith.cmpi sgt, %arg0, %sign3A : i32
    %sign3A_30 = arith.extui %sign3A_29 : i1 to i32
    %sign3A_31 = arith.constant 0 : i32
    %sign3A_32 = arith.cmpi slt, %arg0, %sign3A_31 : i32
    %sign3A_33 = arith.extui %sign3A_32 : i1 to i32
    %sign3A_34 = arith.subi %sign3A_30, %sign3A_33 : i32
    %sign3A_35 = arith.constant 0 : i32
    %sign3A_36 = arith.cmpi sgt, %jit3A_28, %sign3A_35 : i32
    %sign3A_37 = arith.extui %sign3A_36 : i1 to i32
    %sign3A_38 = arith.constant 0 : i32
    %sign3A_39 = arith.cmpi slt, %jit3A_28, %sign3A_38 : i32
    %sign3A_40 = arith.extui %sign3A_39 : i1 to i32
    %sign3A_41 = arith.subi %sign3A_37, %sign3A_40 : i32
    %ne3A = arith.cmpi ne, %sign3A_34, %sign3A_41 : i32
    %rem3A = arith.remsi %arg0, %jit3A_28 : i32
    %ne3A_42 = arith.constant 0 : i32
    %ne3A_43 = arith.cmpi ne, %rem3A, %ne3A_42 : i32
    %and3A = arith.andi %ne3A, %ne3A_43 : i1
    %sub3A = arith.constant 1 : i32
    %sub3A_44 = arith.subi %div3A, %sub3A : i32
    %select_n3A_45 = arith.select %and3A, %sub3A_44, %div3A : i32
    %get3A_46 = arith.index_cast %select_n3A_45 : i32 to index
    %get3A_47 = arith.constant 0 : index
    %get3A_48 = arith.constant 0 : index
    %get3A_49 = vector.load %arg4[%get3A_46, %get3A_47, %get3A_48] : memref<2x8x8192xbf16, #tpu.memory_space<vmem>>, vector<1x8x8192xbf16>
    %get3A_50 = vector.shape_cast %get3A_49 : vector<1x8x8192xbf16> to vector<8x8192xbf16>
    %dot_general3A = arith.constant dense<0.000000e+00> : vector<1024x8192xf32>
    %dot_general3A_51 = tpu.matmul %convert_element_type3A_27, %get3A_50, %dot_general3A {dimension_numbers = #tpu.dot_dimension_numbers<[1], [0], [0], [1], [0, 0, 1, 1], [], []>, transpose_lhs_hint = false} : vector<1024x8xbf16>, vector<8x8192xbf16>, vector<1024x8192xf32> -> vector<1024x8192xf32>
    %slice3A = vector.extract_strided_slice %dot_general3A_51 {offsets = [0, 0], sizes = [1024, 128], strides = [1, 1]} : vector<1024x8192xf32> to vector<1024x128xf32>
    %broadcast_in_dim3A_52 = arith.constant 0 : i32
    %broadcast_in_dim3A_53 = vector.broadcast %broadcast_in_dim3A_52 : i32 to vector<1024x128xi32>
    %slice3A_54 = vector.extract_strided_slice %dot_general3A_51 {offsets = [0, 128], sizes = [1024, 128], strides = [1, 1]} : vector<1024x8192xf32> to vector<1024x128xf32>
    %lt3A_55 = arith.cmpf olt, %slice3A_54, %slice3A : vector<1024x128xf32>
    %select_n3A_56 = arith.select %lt3A_55, %slice3A_54, %slice3A : vector<1024x128xi1>, vector<1024x128xf32>
    %jit3A_57 = arith.constant 1 : i32
    %broadcast_in_dim3A_58 = vector.broadcast %jit3A_57 : i32 to vector<1024x128xi32>
    %select_n3A_59 = arith.select %lt3A_55, %broadcast_in_dim3A_58, %broadcast_in_dim3A_53 : vector<1024x128xi1>, vector<1024x128xi32>
    %slice3A_60 = vector.extract_strided_slice %dot_general3A_51 {offsets = [0, 256], sizes = [1024, 128], strides = [1, 1]} : vector<1024x8192xf32> to vector<1024x128xf32>
    %lt3A_61 = arith.cmpf olt, %slice3A_60, %select_n3A_56 : vector<1024x128xf32>
    %select_n3A_62 = arith.select %lt3A_61, %slice3A_60, %select_n3A_56 : vector<1024x128xi1>, vector<1024x128xf32>
    %jit3A_63 = arith.constant 2 : i32
    %broadcast_in_dim3A_64 = vector.broadcast %jit3A_63 : i32 to vector<1024x128xi32>
    %select_n3A_65 = arith.select %lt3A_61, %broadcast_in_dim3A_64, %select_n3A_59 : vector<1024x128xi1>, vector<1024x128xi32>
    %slice3A_66 = vector.extract_strided_slice %dot_general3A_51 {offsets = [0, 384], sizes = [1024, 128], strides = [1, 1]} : vector<1024x8192xf32> to vector<1024x128xf32>
    %lt3A_67 = arith.cmpf olt, %slice3A_66, %select_n3A_62 : vector<1024x128xf32>
    %select_n3A_68 = arith.select %lt3A_67, %slice3A_66, %select_n3A_62 : vector<1024x128xi1>, vector<1024x128xf32>
    %jit3A_69 = arith.constant 3 : i32
    %broadcast_in_dim3A_70 = vector.broadcast %jit3A_69 : i32 to vector<1024x128xi32>
    %select_n3A_71 = arith.select %lt3A_67, %broadcast_in_dim3A_70, %select_n3A_65 : vector<1024x128xi1>, vector<1024x128xi32>
    %slice3A_72 = vector.extract_strided_slice %dot_general3A_51 {offsets = [0, 512], sizes = [1024, 128], strides = [1, 1]} : vector<1024x8192xf32> to vector<1024x128xf32>
    %lt3A_73 = arith.cmpf olt, %slice3A_72, %select_n3A_68 : vector<1024x128xf32>
    %select_n3A_74 = arith.select %lt3A_73, %slice3A_72, %select_n3A_68 : vector<1024x128xi1>, vector<1024x128xf32>
    %jit3A_75 = arith.constant 4 : i32
    %broadcast_in_dim3A_76 = vector.broadcast %jit3A_75 : i32 to vector<1024x128xi32>
    %select_n3A_77 = arith.select %lt3A_73, %broadcast_in_dim3A_76, %select_n3A_71 : vector<1024x128xi1>, vector<1024x128xi32>
    %slice3A_78 = vector.extract_strided_slice %dot_general3A_51 {offsets = [0, 640], sizes = [1024, 128], strides = [1, 1]} : vector<1024x8192xf32> to vector<1024x128xf32>
    %lt3A_79 = arith.cmpf olt, %slice3A_78, %select_n3A_74 : vector<1024x128xf32>
    %select_n3A_80 = arith.select %lt3A_79, %slice3A_78, %select_n3A_74 : vector<1024x128xi1>, vector<1024x128xf32>
    %jit3A_81 = arith.constant 5 : i32
    %broadcast_in_dim3A_82 = vector.broadcast %jit3A_81 : i32 to vector<1024x128xi32>
    %select_n3A_83 = arith.select %lt3A_79, %broadcast_in_dim3A_82, %select_n3A_77 : vector<1024x128xi1>, vector<1024x128xi32>
    %slice3A_84 = vector.extract_strided_slice %dot_general3A_51 {offsets = [0, 768], sizes = [1024, 128], strides = [1, 1]} : vector<1024x8192xf32> to vector<1024x128xf32>
    %lt3A_85 = arith.cmpf olt, %slice3A_84, %select_n3A_80 : vector<1024x128xf32>
    %select_n3A_86 = arith.select %lt3A_85, %slice3A_84, %select_n3A_80 : vector<1024x128xi1>, vector<1024x128xf32>
    %jit3A_87 = arith.constant 6 : i32
    %broadcast_in_dim3A_88 = vector.broadcast %jit3A_87 : i32 to vector<1024x128xi32>
    %select_n3A_89 = arith.select %lt3A_85, %broadcast_in_dim3A_88, %select_n3A_83 : vector<1024x128xi1>, vector<1024x128xi32>
    %slice3A_90 = vector.extract_strided_slice %dot_general3A_51 {offsets = [0, 896], sizes = [1024, 128], strides = [1, 1]} : vector<1024x8192xf32> to vector<1024x128xf32>
    %lt3A_91 = arith.cmpf olt, %slice3A_90, %select_n3A_86 : vector<1024x128xf32>
    %select_n3A_92 = arith.select %lt3A_91, %slice3A_90, %select_n3A_86 : vector<1024x128xi1>, vector<1024x128xf32>
    %jit3A_93 = arith.constant 7 : i32
    %broadcast_in_dim3A_94 = vector.broadcast %jit3A_93 : i32 to vector<1024x128xi32>
    %select_n3A_95 = arith.select %lt3A_91, %broadcast_in_dim3A_94, %select_n3A_89 : vector<1024x128xi1>, vector<1024x128xi32>
    %slice3A_96 = vector.extract_strided_slice %dot_general3A_51 {offsets = [0, 1024], sizes = [1024, 128], strides = [1, 1]} : vector<1024x8192xf32> to vector<1024x128xf32>
    %lt3A_97 = arith.cmpf olt, %slice3A_96, %select_n3A_92 : vector<1024x128xf32>
    %select_n3A_98 = arith.select %lt3A_97, %slice3A_96, %select_n3A_92 : vector<1024x128xi1>, vector<1024x128xf32>
    %jit3A_99 = arith.constant 8 : i32
    %broadcast_in_dim3A_100 = vector.broadcast %jit3A_99 : i32 to vector<1024x128xi32>
    %select_n3A_101 = arith.select %lt3A_97, %broadcast_in_dim3A_100, %select_n3A_95 : vector<1024x128xi1>, vector<1024x128xi32>
    %slice3A_102 = vector.extract_strided_slice %dot_general3A_51 {offsets = [0, 1152], sizes = [1024, 128], strides = [1, 1]} : vector<1024x8192xf32> to vector<1024x128xf32>
    %lt3A_103 = arith.cmpf olt, %slice3A_102, %select_n3A_98 : vector<1024x128xf32>
    %select_n3A_104 = arith.select %lt3A_103, %slice3A_102, %select_n3A_98 : vector<1024x128xi1>, vector<1024x128xf32>
    %jit3A_105 = arith.constant 9 : i32
    %broadcast_in_dim3A_106 = vector.broadcast %jit3A_105 : i32 to vector<1024x128xi32>
    %select_n3A_107 = arith.select %lt3A_103, %broadcast_in_dim3A_106, %select_n3A_101 : vector<1024x128xi1>, vector<1024x128xi32>
    %slice3A_108 = vector.extract_strided_slice %dot_general3A_51 {offsets = [0, 1280], sizes = [1024, 128], strides = [1, 1]} : vector<1024x8192xf32> to vector<1024x128xf32>
    %lt3A_109 = arith.cmpf olt, %slice3A_108, %select_n3A_104 : vector<1024x128xf32>
    %select_n3A_110 = arith.select %lt3A_109, %slice3A_108, %select_n3A_104 : vector<1024x128xi1>, vector<1024x128xf32>
    %jit3A_111 = arith.constant 10 : i32
    %broadcast_in_dim3A_112 = vector.broadcast %jit3A_111 : i32 to vector<1024x128xi32>
    %select_n3A_113 = arith.select %lt3A_109, %broadcast_in_dim3A_112, %select_n3A_107 : vector<1024x128xi1>, vector<1024x128xi32>
    %slice3A_114 = vector.extract_strided_slice %dot_general3A_51 {offsets = [0, 1408], sizes = [1024, 128], strides = [1, 1]} : vector<1024x8192xf32> to vector<1024x128xf32>
    %lt3A_115 = arith.cmpf olt, %slice3A_114, %select_n3A_110 : vector<1024x128xf32>
    %select_n3A_116 = arith.select %lt3A_115, %slice3A_114, %select_n3A_110 : vector<1024x128xi1>, vector<1024x128xf32>
    %jit3A_117 = arith.constant 11 : i32
    %broadcast_in_dim3A_118 = vector.broadcast %jit3A_117 : i32 to vector<1024x128xi32>
    %select_n3A_119 = arith.select %lt3A_115, %broadcast_in_dim3A_118, %select_n3A_113 : vector<1024x128xi1>, vector<1024x128xi32>
    %slice3A_120 = vector.extract_strided_slice %dot_general3A_51 {offsets = [0, 1536], sizes = [1024, 128], strides = [1, 1]} : vector<1024x8192xf32> to vector<1024x128xf32>
    %lt3A_121 = arith.cmpf olt, %slice3A_120, %select_n3A_116 : vector<1024x128xf32>
    %select_n3A_122 = arith.select %lt3A_121, %slice3A_120, %select_n3A_116 : vector<1024x128xi1>, vector<1024x128xf32>
    %jit3A_123 = arith.constant 12 : i32
    %broadcast_in_dim3A_124 = vector.broadcast %jit3A_123 : i32 to vector<1024x128xi32>
    %select_n3A_125 = arith.select %lt3A_121, %broadcast_in_dim3A_124, %select_n3A_119 : vector<1024x128xi1>, vector<1024x128xi32>
    %slice3A_126 = vector.extract_strided_slice %dot_general3A_51 {offsets = [0, 1664], sizes = [1024, 128], strides = [1, 1]} : vector<1024x8192xf32> to vector<1024x128xf32>
    %lt3A_127 = arith.cmpf olt, %slice3A_126, %select_n3A_122 : vector<1024x128xf32>
    %select_n3A_128 = arith.select %lt3A_127, %slice3A_126, %select_n3A_122 : vector<1024x128xi1>, vector<1024x128xf32>
    %jit3A_129 = arith.constant 13 : i32
    %broadcast_in_dim3A_130 = vector.broadcast %jit3A_129 : i32 to vector<1024x128xi32>
    %select_n3A_131 = arith.select %lt3A_127, %broadcast_in_dim3A_130, %select_n3A_125 : vector<1024x128xi1>, vector<1024x128xi32>
    %slice3A_132 = vector.extract_strided_slice %dot_general3A_51 {offsets = [0, 1792], sizes = [1024, 128], strides = [1, 1]} : vector<1024x8192xf32> to vector<1024x128xf32>
    %lt3A_133 = arith.cmpf olt, %slice3A_132, %select_n3A_128 : vector<1024x128xf32>
    %select_n3A_134 = arith.select %lt3A_133, %slice3A_132, %select_n3A_128 : vector<1024x128xi1>, vector<1024x128xf32>
    %jit3A_135 = arith.constant 14 : i32
    %broadcast_in_dim3A_136 = vector.broadcast %jit3A_135 : i32 to vector<1024x128xi32>
    %select_n3A_137 = arith.select %lt3A_133, %broadcast_in_dim3A_136, %select_n3A_131 : vector<1024x128xi1>, vector<1024x128xi32>
    %slice3A_138 = vector.extract_strided_slice %dot_general3A_51 {offsets = [0, 1920], sizes = [1024, 128], strides = [1, 1]} : vector<1024x8192xf32> to vector<1024x128xf32>
    %lt3A_139 = arith.cmpf olt, %slice3A_138, %select_n3A_134 : vector<1024x128xf32>
    %select_n3A_140 = arith.select %lt3A_139, %slice3A_138, %select_n3A_134 : vector<1024x128xi1>, vector<1024x128xf32>
    %jit3A_141 = arith.constant 15 : i32
    %broadcast_in_dim3A_142 = vector.broadcast %jit3A_141 : i32 to vector<1024x128xi32>
    %select_n3A_143 = arith.select %lt3A_139, %broadcast_in_dim3A_142, %select_n3A_137 : vector<1024x128xi1>, vector<1024x128xi32>
    %slice3A_144 = vector.extract_strided_slice %dot_general3A_51 {offsets = [0, 2048], sizes = [1024, 128], strides = [1, 1]} : vector<1024x8192xf32> to vector<1024x128xf32>
    %lt3A_145 = arith.cmpf olt, %slice3A_144, %select_n3A_140 : vector<1024x128xf32>
    %select_n3A_146 = arith.select %lt3A_145, %slice3A_144, %select_n3A_140 : vector<1024x128xi1>, vector<1024x128xf32>
    %jit3A_147 = arith.constant 16 : i32
    %broadcast_in_dim3A_148 = vector.broadcast %jit3A_147 : i32 to vector<1024x128xi32>
    %select_n3A_149 = arith.select %lt3A_145, %broadcast_in_dim3A_148, %select_n3A_143 : vector<1024x128xi1>, vector<1024x128xi32>
    %slice3A_150 = vector.extract_strided_slice %dot_general3A_51 {offsets = [0, 2176], sizes = [1024, 128], strides = [1, 1]} : vector<1024x8192xf32> to vector<1024x128xf32>
    %lt3A_151 = arith.cmpf olt, %slice3A_150, %select_n3A_146 : vector<1024x128xf32>
    %select_n3A_152 = arith.select %lt3A_151, %slice3A_150, %select_n3A_146 : vector<1024x128xi1>, vector<1024x128xf32>
    %jit3A_153 = arith.constant 17 : i32
    %broadcast_in_dim3A_154 = vector.broadcast %jit3A_153 : i32 to vector<1024x128xi32>
    %select_n3A_155 = arith.select %lt3A_151, %broadcast_in_dim3A_154, %select_n3A_149 : vector<1024x128xi1>, vector<1024x128xi32>
    %slice3A_156 = vector.extract_strided_slice %dot_general3A_51 {offsets = [0, 2304], sizes = [1024, 128], strides = [1, 1]} : vector<1024x8192xf32> to vector<1024x128xf32>
    %lt3A_157 = arith.cmpf olt, %slice3A_156, %select_n3A_152 : vector<1024x128xf32>
    %select_n3A_158 = arith.select %lt3A_157, %slice3A_156, %select_n3A_152 : vector<1024x128xi1>, vector<1024x128xf32>
    %jit3A_159 = arith.constant 18 : i32
    %broadcast_in_dim3A_160 = vector.broadcast %jit3A_159 : i32 to vector<1024x128xi32>
    %select_n3A_161 = arith.select %lt3A_157, %broadcast_in_dim3A_160, %select_n3A_155 : vector<1024x128xi1>, vector<1024x128xi32>
    %slice3A_162 = vector.extract_strided_slice %dot_general3A_51 {offsets = [0, 2432], sizes = [1024, 128], strides = [1, 1]} : vector<1024x8192xf32> to vector<1024x128xf32>
    %lt3A_163 = arith.cmpf olt, %slice3A_162, %select_n3A_158 : vector<1024x128xf32>
    %select_n3A_164 = arith.select %lt3A_163, %slice3A_162, %select_n3A_158 : vector<1024x128xi1>, vector<1024x128xf32>
    %jit3A_165 = arith.constant 19 : i32
    %broadcast_in_dim3A_166 = vector.broadcast %jit3A_165 : i32 to vector<1024x128xi32>
    %select_n3A_167 = arith.select %lt3A_163, %broadcast_in_dim3A_166, %select_n3A_161 : vector<1024x128xi1>, vector<1024x128xi32>
    %slice3A_168 = vector.extract_strided_slice %dot_general3A_51 {offsets = [0, 2560], sizes = [1024, 128], strides = [1, 1]} : vector<1024x8192xf32> to vector<1024x128xf32>
    %lt3A_169 = arith.cmpf olt, %slice3A_168, %select_n3A_164 : vector<1024x128xf32>
    %select_n3A_170 = arith.select %lt3A_169, %slice3A_168, %select_n3A_164 : vector<1024x128xi1>, vector<1024x128xf32>
    %jit3A_171 = arith.constant 20 : i32
    %broadcast_in_dim3A_172 = vector.broadcast %jit3A_171 : i32 to vector<1024x128xi32>
    %select_n3A_173 = arith.select %lt3A_169, %broadcast_in_dim3A_172, %select_n3A_167 : vector<1024x128xi1>, vector<1024x128xi32>
    %slice3A_174 = vector.extract_strided_slice %dot_general3A_51 {offsets = [0, 2688], sizes = [1024, 128], strides = [1, 1]} : vector<1024x8192xf32> to vector<1024x128xf32>
    %lt3A_175 = arith.cmpf olt, %slice3A_174, %select_n3A_170 : vector<1024x128xf32>
    %select_n3A_176 = arith.select %lt3A_175, %slice3A_174, %select_n3A_170 : vector<1024x128xi1>, vector<1024x128xf32>
    %jit3A_177 = arith.constant 21 : i32
    %broadcast_in_dim3A_178 = vector.broadcast %jit3A_177 : i32 to vector<1024x128xi32>
    %select_n3A_179 = arith.select %lt3A_175, %broadcast_in_dim3A_178, %select_n3A_173 : vector<1024x128xi1>, vector<1024x128xi32>
    %slice3A_180 = vector.extract_strided_slice %dot_general3A_51 {offsets = [0, 2816], sizes = [1024, 128], strides = [1, 1]} : vector<1024x8192xf32> to vector<1024x128xf32>
    %lt3A_181 = arith.cmpf olt, %slice3A_180, %select_n3A_176 : vector<1024x128xf32>
    %select_n3A_182 = arith.select %lt3A_181, %slice3A_180, %select_n3A_176 : vector<1024x128xi1>, vector<1024x128xf32>
    %jit3A_183 = arith.constant 22 : i32
    %broadcast_in_dim3A_184 = vector.broadcast %jit3A_183 : i32 to vector<1024x128xi32>
    %select_n3A_185 = arith.select %lt3A_181, %broadcast_in_dim3A_184, %select_n3A_179 : vector<1024x128xi1>, vector<1024x128xi32>
    %slice3A_186 = vector.extract_strided_slice %dot_general3A_51 {offsets = [0, 2944], sizes = [1024, 128], strides = [1, 1]} : vector<1024x8192xf32> to vector<1024x128xf32>
    %lt3A_187 = arith.cmpf olt, %slice3A_186, %select_n3A_182 : vector<1024x128xf32>
    %select_n3A_188 = arith.select %lt3A_187, %slice3A_186, %select_n3A_182 : vector<1024x128xi1>, vector<1024x128xf32>
    %jit3A_189 = arith.constant 23 : i32
    %broadcast_in_dim3A_190 = vector.broadcast %jit3A_189 : i32 to vector<1024x128xi32>
    %select_n3A_191 = arith.select %lt3A_187, %broadcast_in_dim3A_190, %select_n3A_185 : vector<1024x128xi1>, vector<1024x128xi32>
    %slice3A_192 = vector.extract_strided_slice %dot_general3A_51 {offsets = [0, 3072], sizes = [1024, 128], strides = [1, 1]} : vector<1024x8192xf32> to vector<1024x128xf32>
    %lt3A_193 = arith.cmpf olt, %slice3A_192, %select_n3A_188 : vector<1024x128xf32>
    %select_n3A_194 = arith.select %lt3A_193, %slice3A_192, %select_n3A_188 : vector<1024x128xi1>, vector<1024x128xf32>
    %jit3A_195 = arith.constant 24 : i32
    %broadcast_in_dim3A_196 = vector.broadcast %jit3A_195 : i32 to vector<1024x128xi32>
    %select_n3A_197 = arith.select %lt3A_193, %broadcast_in_dim3A_196, %select_n3A_191 : vector<1024x128xi1>, vector<1024x128xi32>
    %slice3A_198 = vector.extract_strided_slice %dot_general3A_51 {offsets = [0, 3200], sizes = [1024, 128], strides = [1, 1]} : vector<1024x8192xf32> to vector<1024x128xf32>
    %lt3A_199 = arith.cmpf olt, %slice3A_198, %select_n3A_194 : vector<1024x128xf32>
    %select_n3A_200 = arith.select %lt3A_199, %slice3A_198, %select_n3A_194 : vector<1024x128xi1>, vector<1024x128xf32>
    %jit3A_201 = arith.constant 25 : i32
    %broadcast_in_dim3A_202 = vector.broadcast %jit3A_201 : i32 to vector<1024x128xi32>
    %select_n3A_203 = arith.select %lt3A_199, %broadcast_in_dim3A_202, %select_n3A_197 : vector<1024x128xi1>, vector<1024x128xi32>
    %slice3A_204 = vector.extract_strided_slice %dot_general3A_51 {offsets = [0, 3328], sizes = [1024, 128], strides = [1, 1]} : vector<1024x8192xf32> to vector<1024x128xf32>
    %lt3A_205 = arith.cmpf olt, %slice3A_204, %select_n3A_200 : vector<1024x128xf32>
    %select_n3A_206 = arith.select %lt3A_205, %slice3A_204, %select_n3A_200 : vector<1024x128xi1>, vector<1024x128xf32>
    %jit3A_207 = arith.constant 26 : i32
    %broadcast_in_dim3A_208 = vector.broadcast %jit3A_207 : i32 to vector<1024x128xi32>
    %select_n3A_209 = arith.select %lt3A_205, %broadcast_in_dim3A_208, %select_n3A_203 : vector<1024x128xi1>, vector<1024x128xi32>
    %slice3A_210 = vector.extract_strided_slice %dot_general3A_51 {offsets = [0, 3456], sizes = [1024, 128], strides = [1, 1]} : vector<1024x8192xf32> to vector<1024x128xf32>
    %lt3A_211 = arith.cmpf olt, %slice3A_210, %select_n3A_206 : vector<1024x128xf32>
    %select_n3A_212 = arith.select %lt3A_211, %slice3A_210, %select_n3A_206 : vector<1024x128xi1>, vector<1024x128xf32>
    %jit3A_213 = arith.constant 27 : i32
    %broadcast_in_dim3A_214 = vector.broadcast %jit3A_213 : i32 to vector<1024x128xi32>
    %select_n3A_215 = arith.select %lt3A_211, %broadcast_in_dim3A_214, %select_n3A_209 : vector<1024x128xi1>, vector<1024x128xi32>
    %slice3A_216 = vector.extract_strided_slice %dot_general3A_51 {offsets = [0, 3584], sizes = [1024, 128], strides = [1, 1]} : vector<1024x8192xf32> to vector<1024x128xf32>
    %lt3A_217 = arith.cmpf olt, %slice3A_216, %select_n3A_212 : vector<1024x128xf32>
    %select_n3A_218 = arith.select %lt3A_217, %slice3A_216, %select_n3A_212 : vector<1024x128xi1>, vector<1024x128xf32>
    %jit3A_219 = arith.constant 28 : i32
    %broadcast_in_dim3A_220 = vector.broadcast %jit3A_219 : i32 to vector<1024x128xi32>
    %select_n3A_221 = arith.select %lt3A_217, %broadcast_in_dim3A_220, %select_n3A_215 : vector<1024x128xi1>, vector<1024x128xi32>
    %slice3A_222 = vector.extract_strided_slice %dot_general3A_51 {offsets = [0, 3712], sizes = [1024, 128], strides = [1, 1]} : vector<1024x8192xf32> to vector<1024x128xf32>
    %lt3A_223 = arith.cmpf olt, %slice3A_222, %select_n3A_218 : vector<1024x128xf32>
    %select_n3A_224 = arith.select %lt3A_223, %slice3A_222, %select_n3A_218 : vector<1024x128xi1>, vector<1024x128xf32>
    %jit3A_225 = arith.constant 29 : i32
    %broadcast_in_dim3A_226 = vector.broadcast %jit3A_225 : i32 to vector<1024x128xi32>
    %select_n3A_227 = arith.select %lt3A_223, %broadcast_in_dim3A_226, %select_n3A_221 : vector<1024x128xi1>, vector<1024x128xi32>
    %slice3A_228 = vector.extract_strided_slice %dot_general3A_51 {offsets = [0, 3840], sizes = [1024, 128], strides = [1, 1]} : vector<1024x8192xf32> to vector<1024x128xf32>
    %lt3A_229 = arith.cmpf olt, %slice3A_228, %select_n3A_224 : vector<1024x128xf32>
    %select_n3A_230 = arith.select %lt3A_229, %slice3A_228, %select_n3A_224 : vector<1024x128xi1>, vector<1024x128xf32>
    %jit3A_231 = arith.constant 30 : i32
    %broadcast_in_dim3A_232 = vector.broadcast %jit3A_231 : i32 to vector<1024x128xi32>
    %select_n3A_233 = arith.select %lt3A_229, %broadcast_in_dim3A_232, %select_n3A_227 : vector<1024x128xi1>, vector<1024x128xi32>
    %slice3A_234 = vector.extract_strided_slice %dot_general3A_51 {offsets = [0, 3968], sizes = [1024, 128], strides = [1, 1]} : vector<1024x8192xf32> to vector<1024x128xf32>
    %lt3A_235 = arith.cmpf olt, %slice3A_234, %select_n3A_230 : vector<1024x128xf32>
    %select_n3A_236 = arith.select %lt3A_235, %slice3A_234, %select_n3A_230 : vector<1024x128xi1>, vector<1024x128xf32>
    %jit3A_237 = arith.constant 31 : i32
    %broadcast_in_dim3A_238 = vector.broadcast %jit3A_237 : i32 to vector<1024x128xi32>
    %select_n3A_239 = arith.select %lt3A_235, %broadcast_in_dim3A_238, %select_n3A_233 : vector<1024x128xi1>, vector<1024x128xi32>
    %slice3A_240 = vector.extract_strided_slice %dot_general3A_51 {offsets = [0, 4096], sizes = [1024, 128], strides = [1, 1]} : vector<1024x8192xf32> to vector<1024x128xf32>
    %lt3A_241 = arith.cmpf olt, %slice3A_240, %select_n3A_236 : vector<1024x128xf32>
    %select_n3A_242 = arith.select %lt3A_241, %slice3A_240, %select_n3A_236 : vector<1024x128xi1>, vector<1024x128xf32>
    %jit3A_243 = arith.constant 32 : i32
    %broadcast_in_dim3A_244 = vector.broadcast %jit3A_243 : i32 to vector<1024x128xi32>
    %select_n3A_245 = arith.select %lt3A_241, %broadcast_in_dim3A_244, %select_n3A_239 : vector<1024x128xi1>, vector<1024x128xi32>
    %slice3A_246 = vector.extract_strided_slice %dot_general3A_51 {offsets = [0, 4224], sizes = [1024, 128], strides = [1, 1]} : vector<1024x8192xf32> to vector<1024x128xf32>
    %lt3A_247 = arith.cmpf olt, %slice3A_246, %select_n3A_242 : vector<1024x128xf32>
    %select_n3A_248 = arith.select %lt3A_247, %slice3A_246, %select_n3A_242 : vector<1024x128xi1>, vector<1024x128xf32>
    %jit3A_249 = arith.constant 33 : i32
    %broadcast_in_dim3A_250 = vector.broadcast %jit3A_249 : i32 to vector<1024x128xi32>
    %select_n3A_251 = arith.select %lt3A_247, %broadcast_in_dim3A_250, %select_n3A_245 : vector<1024x128xi1>, vector<1024x128xi32>
    %slice3A_252 = vector.extract_strided_slice %dot_general3A_51 {offsets = [0, 4352], sizes = [1024, 128], strides = [1, 1]} : vector<1024x8192xf32> to vector<1024x128xf32>
    %lt3A_253 = arith.cmpf olt, %slice3A_252, %select_n3A_248 : vector<1024x128xf32>
    %select_n3A_254 = arith.select %lt3A_253, %slice3A_252, %select_n3A_248 : vector<1024x128xi1>, vector<1024x128xf32>
    %jit3A_255 = arith.constant 34 : i32
    %broadcast_in_dim3A_256 = vector.broadcast %jit3A_255 : i32 to vector<1024x128xi32>
    %select_n3A_257 = arith.select %lt3A_253, %broadcast_in_dim3A_256, %select_n3A_251 : vector<1024x128xi1>, vector<1024x128xi32>
    %slice3A_258 = vector.extract_strided_slice %dot_general3A_51 {offsets = [0, 4480], sizes = [1024, 128], strides = [1, 1]} : vector<1024x8192xf32> to vector<1024x128xf32>
    %lt3A_259 = arith.cmpf olt, %slice3A_258, %select_n3A_254 : vector<1024x128xf32>
    %select_n3A_260 = arith.select %lt3A_259, %slice3A_258, %select_n3A_254 : vector<1024x128xi1>, vector<1024x128xf32>
    %jit3A_261 = arith.constant 35 : i32
    %broadcast_in_dim3A_262 = vector.broadcast %jit3A_261 : i32 to vector<1024x128xi32>
    %select_n3A_263 = arith.select %lt3A_259, %broadcast_in_dim3A_262, %select_n3A_257 : vector<1024x128xi1>, vector<1024x128xi32>
    %slice3A_264 = vector.extract_strided_slice %dot_general3A_51 {offsets = [0, 4608], sizes = [1024, 128], strides = [1, 1]} : vector<1024x8192xf32> to vector<1024x128xf32>
    %lt3A_265 = arith.cmpf olt, %slice3A_264, %select_n3A_260 : vector<1024x128xf32>
    %select_n3A_266 = arith.select %lt3A_265, %slice3A_264, %select_n3A_260 : vector<1024x128xi1>, vector<1024x128xf32>
    %jit3A_267 = arith.constant 36 : i32
    %broadcast_in_dim3A_268 = vector.broadcast %jit3A_267 : i32 to vector<1024x128xi32>
    %select_n3A_269 = arith.select %lt3A_265, %broadcast_in_dim3A_268, %select_n3A_263 : vector<1024x128xi1>, vector<1024x128xi32>
    %slice3A_270 = vector.extract_strided_slice %dot_general3A_51 {offsets = [0, 4736], sizes = [1024, 128], strides = [1, 1]} : vector<1024x8192xf32> to vector<1024x128xf32>
    %lt3A_271 = arith.cmpf olt, %slice3A_270, %select_n3A_266 : vector<1024x128xf32>
    %select_n3A_272 = arith.select %lt3A_271, %slice3A_270, %select_n3A_266 : vector<1024x128xi1>, vector<1024x128xf32>
    %jit3A_273 = arith.constant 37 : i32
    %broadcast_in_dim3A_274 = vector.broadcast %jit3A_273 : i32 to vector<1024x128xi32>
    %select_n3A_275 = arith.select %lt3A_271, %broadcast_in_dim3A_274, %select_n3A_269 : vector<1024x128xi1>, vector<1024x128xi32>
    %slice3A_276 = vector.extract_strided_slice %dot_general3A_51 {offsets = [0, 4864], sizes = [1024, 128], strides = [1, 1]} : vector<1024x8192xf32> to vector<1024x128xf32>
    %lt3A_277 = arith.cmpf olt, %slice3A_276, %select_n3A_272 : vector<1024x128xf32>
    %select_n3A_278 = arith.select %lt3A_277, %slice3A_276, %select_n3A_272 : vector<1024x128xi1>, vector<1024x128xf32>
    %jit3A_279 = arith.constant 38 : i32
    %broadcast_in_dim3A_280 = vector.broadcast %jit3A_279 : i32 to vector<1024x128xi32>
    %select_n3A_281 = arith.select %lt3A_277, %broadcast_in_dim3A_280, %select_n3A_275 : vector<1024x128xi1>, vector<1024x128xi32>
    %slice3A_282 = vector.extract_strided_slice %dot_general3A_51 {offsets = [0, 4992], sizes = [1024, 128], strides = [1, 1]} : vector<1024x8192xf32> to vector<1024x128xf32>
    %lt3A_283 = arith.cmpf olt, %slice3A_282, %select_n3A_278 : vector<1024x128xf32>
    %select_n3A_284 = arith.select %lt3A_283, %slice3A_282, %select_n3A_278 : vector<1024x128xi1>, vector<1024x128xf32>
    %jit3A_285 = arith.constant 39 : i32
    %broadcast_in_dim3A_286 = vector.broadcast %jit3A_285 : i32 to vector<1024x128xi32>
    %select_n3A_287 = arith.select %lt3A_283, %broadcast_in_dim3A_286, %select_n3A_281 : vector<1024x128xi1>, vector<1024x128xi32>
    %slice3A_288 = vector.extract_strided_slice %dot_general3A_51 {offsets = [0, 5120], sizes = [1024, 128], strides = [1, 1]} : vector<1024x8192xf32> to vector<1024x128xf32>
    %lt3A_289 = arith.cmpf olt, %slice3A_288, %select_n3A_284 : vector<1024x128xf32>
    %select_n3A_290 = arith.select %lt3A_289, %slice3A_288, %select_n3A_284 : vector<1024x128xi1>, vector<1024x128xf32>
    %jit3A_291 = arith.constant 40 : i32
    %broadcast_in_dim3A_292 = vector.broadcast %jit3A_291 : i32 to vector<1024x128xi32>
    %select_n3A_293 = arith.select %lt3A_289, %broadcast_in_dim3A_292, %select_n3A_287 : vector<1024x128xi1>, vector<1024x128xi32>
    %slice3A_294 = vector.extract_strided_slice %dot_general3A_51 {offsets = [0, 5248], sizes = [1024, 128], strides = [1, 1]} : vector<1024x8192xf32> to vector<1024x128xf32>
    %lt3A_295 = arith.cmpf olt, %slice3A_294, %select_n3A_290 : vector<1024x128xf32>
    %select_n3A_296 = arith.select %lt3A_295, %slice3A_294, %select_n3A_290 : vector<1024x128xi1>, vector<1024x128xf32>
    %jit3A_297 = arith.constant 41 : i32
    %broadcast_in_dim3A_298 = vector.broadcast %jit3A_297 : i32 to vector<1024x128xi32>
    %select_n3A_299 = arith.select %lt3A_295, %broadcast_in_dim3A_298, %select_n3A_293 : vector<1024x128xi1>, vector<1024x128xi32>
    %slice3A_300 = vector.extract_strided_slice %dot_general3A_51 {offsets = [0, 5376], sizes = [1024, 128], strides = [1, 1]} : vector<1024x8192xf32> to vector<1024x128xf32>
    %lt3A_301 = arith.cmpf olt, %slice3A_300, %select_n3A_296 : vector<1024x128xf32>
    %select_n3A_302 = arith.select %lt3A_301, %slice3A_300, %select_n3A_296 : vector<1024x128xi1>, vector<1024x128xf32>
    %jit3A_303 = arith.constant 42 : i32
    %broadcast_in_dim3A_304 = vector.broadcast %jit3A_303 : i32 to vector<1024x128xi32>
    %select_n3A_305 = arith.select %lt3A_301, %broadcast_in_dim3A_304, %select_n3A_299 : vector<1024x128xi1>, vector<1024x128xi32>
    %slice3A_306 = vector.extract_strided_slice %dot_general3A_51 {offsets = [0, 5504], sizes = [1024, 128], strides = [1, 1]} : vector<1024x8192xf32> to vector<1024x128xf32>
    %lt3A_307 = arith.cmpf olt, %slice3A_306, %select_n3A_302 : vector<1024x128xf32>
    %select_n3A_308 = arith.select %lt3A_307, %slice3A_306, %select_n3A_302 : vector<1024x128xi1>, vector<1024x128xf32>
    %jit3A_309 = arith.constant 43 : i32
    %broadcast_in_dim3A_310 = vector.broadcast %jit3A_309 : i32 to vector<1024x128xi32>
    %select_n3A_311 = arith.select %lt3A_307, %broadcast_in_dim3A_310, %select_n3A_305 : vector<1024x128xi1>, vector<1024x128xi32>
    %slice3A_312 = vector.extract_strided_slice %dot_general3A_51 {offsets = [0, 5632], sizes = [1024, 128], strides = [1, 1]} : vector<1024x8192xf32> to vector<1024x128xf32>
    %lt3A_313 = arith.cmpf olt, %slice3A_312, %select_n3A_308 : vector<1024x128xf32>
    %select_n3A_314 = arith.select %lt3A_313, %slice3A_312, %select_n3A_308 : vector<1024x128xi1>, vector<1024x128xf32>
    %jit3A_315 = arith.constant 44 : i32
    %broadcast_in_dim3A_316 = vector.broadcast %jit3A_315 : i32 to vector<1024x128xi32>
    %select_n3A_317 = arith.select %lt3A_313, %broadcast_in_dim3A_316, %select_n3A_311 : vector<1024x128xi1>, vector<1024x128xi32>
    %slice3A_318 = vector.extract_strided_slice %dot_general3A_51 {offsets = [0, 5760], sizes = [1024, 128], strides = [1, 1]} : vector<1024x8192xf32> to vector<1024x128xf32>
    %lt3A_319 = arith.cmpf olt, %slice3A_318, %select_n3A_314 : vector<1024x128xf32>
    %select_n3A_320 = arith.select %lt3A_319, %slice3A_318, %select_n3A_314 : vector<1024x128xi1>, vector<1024x128xf32>
    %jit3A_321 = arith.constant 45 : i32
    %broadcast_in_dim3A_322 = vector.broadcast %jit3A_321 : i32 to vector<1024x128xi32>
    %select_n3A_323 = arith.select %lt3A_319, %broadcast_in_dim3A_322, %select_n3A_317 : vector<1024x128xi1>, vector<1024x128xi32>
    %slice3A_324 = vector.extract_strided_slice %dot_general3A_51 {offsets = [0, 5888], sizes = [1024, 128], strides = [1, 1]} : vector<1024x8192xf32> to vector<1024x128xf32>
    %lt3A_325 = arith.cmpf olt, %slice3A_324, %select_n3A_320 : vector<1024x128xf32>
    %select_n3A_326 = arith.select %lt3A_325, %slice3A_324, %select_n3A_320 : vector<1024x128xi1>, vector<1024x128xf32>
    %jit3A_327 = arith.constant 46 : i32
    %broadcast_in_dim3A_328 = vector.broadcast %jit3A_327 : i32 to vector<1024x128xi32>
    %select_n3A_329 = arith.select %lt3A_325, %broadcast_in_dim3A_328, %select_n3A_323 : vector<1024x128xi1>, vector<1024x128xi32>
    %slice3A_330 = vector.extract_strided_slice %dot_general3A_51 {offsets = [0, 6016], sizes = [1024, 128], strides = [1, 1]} : vector<1024x8192xf32> to vector<1024x128xf32>
    %lt3A_331 = arith.cmpf olt, %slice3A_330, %select_n3A_326 : vector<1024x128xf32>
    %select_n3A_332 = arith.select %lt3A_331, %slice3A_330, %select_n3A_326 : vector<1024x128xi1>, vector<1024x128xf32>
    %jit3A_333 = arith.constant 47 : i32
    %broadcast_in_dim3A_334 = vector.broadcast %jit3A_333 : i32 to vector<1024x128xi32>
    %select_n3A_335 = arith.select %lt3A_331, %broadcast_in_dim3A_334, %select_n3A_329 : vector<1024x128xi1>, vector<1024x128xi32>
    %slice3A_336 = vector.extract_strided_slice %dot_general3A_51 {offsets = [0, 6144], sizes = [1024, 128], strides = [1, 1]} : vector<1024x8192xf32> to vector<1024x128xf32>
    %lt3A_337 = arith.cmpf olt, %slice3A_336, %select_n3A_332 : vector<1024x128xf32>
    %select_n3A_338 = arith.select %lt3A_337, %slice3A_336, %select_n3A_332 : vector<1024x128xi1>, vector<1024x128xf32>
    %jit3A_339 = arith.constant 48 : i32
    %broadcast_in_dim3A_340 = vector.broadcast %jit3A_339 : i32 to vector<1024x128xi32>
    %select_n3A_341 = arith.select %lt3A_337, %broadcast_in_dim3A_340, %select_n3A_335 : vector<1024x128xi1>, vector<1024x128xi32>
    %slice3A_342 = vector.extract_strided_slice %dot_general3A_51 {offsets = [0, 6272], sizes = [1024, 128], strides = [1, 1]} : vector<1024x8192xf32> to vector<1024x128xf32>
    %lt3A_343 = arith.cmpf olt, %slice3A_342, %select_n3A_338 : vector<1024x128xf32>
    %select_n3A_344 = arith.select %lt3A_343, %slice3A_342, %select_n3A_338 : vector<1024x128xi1>, vector<1024x128xf32>
    %jit3A_345 = arith.constant 49 : i32
    %broadcast_in_dim3A_346 = vector.broadcast %jit3A_345 : i32 to vector<1024x128xi32>
    %select_n3A_347 = arith.select %lt3A_343, %broadcast_in_dim3A_346, %select_n3A_341 : vector<1024x128xi1>, vector<1024x128xi32>
    %slice3A_348 = vector.extract_strided_slice %dot_general3A_51 {offsets = [0, 6400], sizes = [1024, 128], strides = [1, 1]} : vector<1024x8192xf32> to vector<1024x128xf32>
    %lt3A_349 = arith.cmpf olt, %slice3A_348, %select_n3A_344 : vector<1024x128xf32>
    %select_n3A_350 = arith.select %lt3A_349, %slice3A_348, %select_n3A_344 : vector<1024x128xi1>, vector<1024x128xf32>
    %jit3A_351 = arith.constant 50 : i32
    %broadcast_in_dim3A_352 = vector.broadcast %jit3A_351 : i32 to vector<1024x128xi32>
    %select_n3A_353 = arith.select %lt3A_349, %broadcast_in_dim3A_352, %select_n3A_347 : vector<1024x128xi1>, vector<1024x128xi32>
    %slice3A_354 = vector.extract_strided_slice %dot_general3A_51 {offsets = [0, 6528], sizes = [1024, 128], strides = [1, 1]} : vector<1024x8192xf32> to vector<1024x128xf32>
    %lt3A_355 = arith.cmpf olt, %slice3A_354, %select_n3A_350 : vector<1024x128xf32>
    %select_n3A_356 = arith.select %lt3A_355, %slice3A_354, %select_n3A_350 : vector<1024x128xi1>, vector<1024x128xf32>
    %jit3A_357 = arith.constant 51 : i32
    %broadcast_in_dim3A_358 = vector.broadcast %jit3A_357 : i32 to vector<1024x128xi32>
    %select_n3A_359 = arith.select %lt3A_355, %broadcast_in_dim3A_358, %select_n3A_353 : vector<1024x128xi1>, vector<1024x128xi32>
    %slice3A_360 = vector.extract_strided_slice %dot_general3A_51 {offsets = [0, 6656], sizes = [1024, 128], strides = [1, 1]} : vector<1024x8192xf32> to vector<1024x128xf32>
    %lt3A_361 = arith.cmpf olt, %slice3A_360, %select_n3A_356 : vector<1024x128xf32>
    %select_n3A_362 = arith.select %lt3A_361, %slice3A_360, %select_n3A_356 : vector<1024x128xi1>, vector<1024x128xf32>
    %jit3A_363 = arith.constant 52 : i32
    %broadcast_in_dim3A_364 = vector.broadcast %jit3A_363 : i32 to vector<1024x128xi32>
    %select_n3A_365 = arith.select %lt3A_361, %broadcast_in_dim3A_364, %select_n3A_359 : vector<1024x128xi1>, vector<1024x128xi32>
    %slice3A_366 = vector.extract_strided_slice %dot_general3A_51 {offsets = [0, 6784], sizes = [1024, 128], strides = [1, 1]} : vector<1024x8192xf32> to vector<1024x128xf32>
    %lt3A_367 = arith.cmpf olt, %slice3A_366, %select_n3A_362 : vector<1024x128xf32>
    %select_n3A_368 = arith.select %lt3A_367, %slice3A_366, %select_n3A_362 : vector<1024x128xi1>, vector<1024x128xf32>
    %jit3A_369 = arith.constant 53 : i32
    %broadcast_in_dim3A_370 = vector.broadcast %jit3A_369 : i32 to vector<1024x128xi32>
    %select_n3A_371 = arith.select %lt3A_367, %broadcast_in_dim3A_370, %select_n3A_365 : vector<1024x128xi1>, vector<1024x128xi32>
    %slice3A_372 = vector.extract_strided_slice %dot_general3A_51 {offsets = [0, 6912], sizes = [1024, 128], strides = [1, 1]} : vector<1024x8192xf32> to vector<1024x128xf32>
    %lt3A_373 = arith.cmpf olt, %slice3A_372, %select_n3A_368 : vector<1024x128xf32>
    %select_n3A_374 = arith.select %lt3A_373, %slice3A_372, %select_n3A_368 : vector<1024x128xi1>, vector<1024x128xf32>
    %jit3A_375 = arith.constant 54 : i32
    %broadcast_in_dim3A_376 = vector.broadcast %jit3A_375 : i32 to vector<1024x128xi32>
    %select_n3A_377 = arith.select %lt3A_373, %broadcast_in_dim3A_376, %select_n3A_371 : vector<1024x128xi1>, vector<1024x128xi32>
    %slice3A_378 = vector.extract_strided_slice %dot_general3A_51 {offsets = [0, 7040], sizes = [1024, 128], strides = [1, 1]} : vector<1024x8192xf32> to vector<1024x128xf32>
    %lt3A_379 = arith.cmpf olt, %slice3A_378, %select_n3A_374 : vector<1024x128xf32>
    %select_n3A_380 = arith.select %lt3A_379, %slice3A_378, %select_n3A_374 : vector<1024x128xi1>, vector<1024x128xf32>
    %jit3A_381 = arith.constant 55 : i32
    %broadcast_in_dim3A_382 = vector.broadcast %jit3A_381 : i32 to vector<1024x128xi32>
    %select_n3A_383 = arith.select %lt3A_379, %broadcast_in_dim3A_382, %select_n3A_377 : vector<1024x128xi1>, vector<1024x128xi32>
    %slice3A_384 = vector.extract_strided_slice %dot_general3A_51 {offsets = [0, 7168], sizes = [1024, 128], strides = [1, 1]} : vector<1024x8192xf32> to vector<1024x128xf32>
    %lt3A_385 = arith.cmpf olt, %slice3A_384, %select_n3A_380 : vector<1024x128xf32>
    %select_n3A_386 = arith.select %lt3A_385, %slice3A_384, %select_n3A_380 : vector<1024x128xi1>, vector<1024x128xf32>
    %jit3A_387 = arith.constant 56 : i32
    %broadcast_in_dim3A_388 = vector.broadcast %jit3A_387 : i32 to vector<1024x128xi32>
    %select_n3A_389 = arith.select %lt3A_385, %broadcast_in_dim3A_388, %select_n3A_383 : vector<1024x128xi1>, vector<1024x128xi32>
    %slice3A_390 = vector.extract_strided_slice %dot_general3A_51 {offsets = [0, 7296], sizes = [1024, 128], strides = [1, 1]} : vector<1024x8192xf32> to vector<1024x128xf32>
    %lt3A_391 = arith.cmpf olt, %slice3A_390, %select_n3A_386 : vector<1024x128xf32>
    %select_n3A_392 = arith.select %lt3A_391, %slice3A_390, %select_n3A_386 : vector<1024x128xi1>, vector<1024x128xf32>
    %jit3A_393 = arith.constant 57 : i32
    %broadcast_in_dim3A_394 = vector.broadcast %jit3A_393 : i32 to vector<1024x128xi32>
    %select_n3A_395 = arith.select %lt3A_391, %broadcast_in_dim3A_394, %select_n3A_389 : vector<1024x128xi1>, vector<1024x128xi32>
    %slice3A_396 = vector.extract_strided_slice %dot_general3A_51 {offsets = [0, 7424], sizes = [1024, 128], strides = [1, 1]} : vector<1024x8192xf32> to vector<1024x128xf32>
    %lt3A_397 = arith.cmpf olt, %slice3A_396, %select_n3A_392 : vector<1024x128xf32>
    %select_n3A_398 = arith.select %lt3A_397, %slice3A_396, %select_n3A_392 : vector<1024x128xi1>, vector<1024x128xf32>
    %jit3A_399 = arith.constant 58 : i32
    %broadcast_in_dim3A_400 = vector.broadcast %jit3A_399 : i32 to vector<1024x128xi32>
    %select_n3A_401 = arith.select %lt3A_397, %broadcast_in_dim3A_400, %select_n3A_395 : vector<1024x128xi1>, vector<1024x128xi32>
    %slice3A_402 = vector.extract_strided_slice %dot_general3A_51 {offsets = [0, 7552], sizes = [1024, 128], strides = [1, 1]} : vector<1024x8192xf32> to vector<1024x128xf32>
    %lt3A_403 = arith.cmpf olt, %slice3A_402, %select_n3A_398 : vector<1024x128xf32>
    %select_n3A_404 = arith.select %lt3A_403, %slice3A_402, %select_n3A_398 : vector<1024x128xi1>, vector<1024x128xf32>
    %jit3A_405 = arith.constant 59 : i32
    %broadcast_in_dim3A_406 = vector.broadcast %jit3A_405 : i32 to vector<1024x128xi32>
    %select_n3A_407 = arith.select %lt3A_403, %broadcast_in_dim3A_406, %select_n3A_401 : vector<1024x128xi1>, vector<1024x128xi32>
    %slice3A_408 = vector.extract_strided_slice %dot_general3A_51 {offsets = [0, 7680], sizes = [1024, 128], strides = [1, 1]} : vector<1024x8192xf32> to vector<1024x128xf32>
    %lt3A_409 = arith.cmpf olt, %slice3A_408, %select_n3A_404 : vector<1024x128xf32>
    %select_n3A_410 = arith.select %lt3A_409, %slice3A_408, %select_n3A_404 : vector<1024x128xi1>, vector<1024x128xf32>
    %jit3A_411 = arith.constant 60 : i32
    %broadcast_in_dim3A_412 = vector.broadcast %jit3A_411 : i32 to vector<1024x128xi32>
    %select_n3A_413 = arith.select %lt3A_409, %broadcast_in_dim3A_412, %select_n3A_407 : vector<1024x128xi1>, vector<1024x128xi32>
    %slice3A_414 = vector.extract_strided_slice %dot_general3A_51 {offsets = [0, 7808], sizes = [1024, 128], strides = [1, 1]} : vector<1024x8192xf32> to vector<1024x128xf32>
    %lt3A_415 = arith.cmpf olt, %slice3A_414, %select_n3A_410 : vector<1024x128xf32>
    %select_n3A_416 = arith.select %lt3A_415, %slice3A_414, %select_n3A_410 : vector<1024x128xi1>, vector<1024x128xf32>
    %jit3A_417 = arith.constant 61 : i32
    %broadcast_in_dim3A_418 = vector.broadcast %jit3A_417 : i32 to vector<1024x128xi32>
    %select_n3A_419 = arith.select %lt3A_415, %broadcast_in_dim3A_418, %select_n3A_413 : vector<1024x128xi1>, vector<1024x128xi32>
    %slice3A_420 = vector.extract_strided_slice %dot_general3A_51 {offsets = [0, 7936], sizes = [1024, 128], strides = [1, 1]} : vector<1024x8192xf32> to vector<1024x128xf32>
    %lt3A_421 = arith.cmpf olt, %slice3A_420, %select_n3A_416 : vector<1024x128xf32>
    %select_n3A_422 = arith.select %lt3A_421, %slice3A_420, %select_n3A_416 : vector<1024x128xi1>, vector<1024x128xf32>
    %jit3A_423 = arith.constant 62 : i32
    %broadcast_in_dim3A_424 = vector.broadcast %jit3A_423 : i32 to vector<1024x128xi32>
    %select_n3A_425 = arith.select %lt3A_421, %broadcast_in_dim3A_424, %select_n3A_419 : vector<1024x128xi1>, vector<1024x128xi32>
    %slice3A_426 = vector.extract_strided_slice %dot_general3A_51 {offsets = [0, 8064], sizes = [1024, 128], strides = [1, 1]} : vector<1024x8192xf32> to vector<1024x128xf32>
    %lt3A_427 = arith.cmpf olt, %slice3A_426, %select_n3A_422 : vector<1024x128xf32>
    %select_n3A_428 = arith.select %lt3A_427, %slice3A_426, %select_n3A_422 : vector<1024x128xi1>, vector<1024x128xf32>
    %jit3A_429 = arith.constant 63 : i32
    %broadcast_in_dim3A_430 = vector.broadcast %jit3A_429 : i32 to vector<1024x128xi32>
    %select_n3A_431 = arith.select %lt3A_427, %broadcast_in_dim3A_430, %select_n3A_425 : vector<1024x128xi1>, vector<1024x128xi32>
    %iota3A_432 = tpu.iota {dimensions = array<i32: 1>} : vector<1024x128xi32>
    %mul3A = arith.constant 128 : i32
    %mul3A_433 = vector.broadcast %mul3A : i32 to vector<1024x128xi32>
    %mul3A_434 = arith.muli %select_n3A_431, %mul3A_433 : vector<1024x128xi32>
    %add3A = arith.addi %mul3A_434, %iota3A_432 : vector<1024x128xi32>
    %reduce_min3A = arith.constant dense<0x7F800000> : vector<1024xf32>
    %reduce_min3A_435 = vector.multi_reduction <minimumf>, %select_n3A_428, %reduce_min3A [1] : vector<1024x128xf32> to vector<1024xf32>
    %broadcast_in_dim3A_436 = vector.shape_cast %reduce_min3A_435 : vector<1024xf32> to vector<1024x1xf32>
    %le3A = vector.broadcast %broadcast_in_dim3A_436 : vector<1024x1xf32> to vector<1024x128xf32>
    %le3A_437 = arith.cmpf ole, %select_n3A_428, %le3A : vector<1024x128xf32>
    %jit3A_438 = arith.constant 8192 : i32
    %broadcast_in_dim3A_439 = vector.broadcast %jit3A_438 : i32 to vector<1024x128xi32>
    %select_n3A_440 = arith.select %le3A_437, %add3A, %broadcast_in_dim3A_439 : vector<1024x128xi1>, vector<1024x128xi32>
    %reduce_min3A_441 = arith.constant dense<2147483647> : vector<1024xi32>
    %reduce_min3A_442 = vector.multi_reduction <minsi>, %select_n3A_440, %reduce_min3A_441 [1] : vector<1024x128xi32> to vector<1024xi32>
    %swap3A = arith.constant 0 : index
    %swap3A_443 = arith.constant 0 : index
    %swap3A_444 = arith.constant 0 : index
    %swap3A_445 = vector.load %arg3[%swap3A, %swap3A_443, %swap3A_444] : memref<1x1x1024xi32, #tpu.memory_space<vmem>>, vector<1x1x1024xi32>
    %swap3A_446 = vector.shape_cast %swap3A_445 : vector<1x1x1024xi32> to vector<1024xi32>
    %swap3A_447 = vector.shape_cast %reduce_min3A_442 : vector<1024xi32> to vector<1x1x1024xi32>
    tpu.vector_store %arg3[%swap3A, %swap3A_443, %swap3A_444], %swap3A_447 {strides = array<i32>} : memref<1x1x1024xi32, #tpu.memory_space<vmem>>, vector<1x1x1024xi32>,
    return
  }
  func.func @transform_0(%arg0: i32) -> (i32, i32) {
    %c0_i32 = arith.constant 0 : i32
    %c0_i32_0 = arith.constant 0 : i32
    return %arg0, %c0_i32 : i32, i32
  }
  func.func @transform_1(%arg0: i32) -> (i32, i32, i32) {
    %c0_i32 = arith.constant 0 : i32
    %c0_i32_0 = arith.constant 0 : i32
    %c0_i32_1 = arith.constant 0 : i32
    %c0_i32_2 = arith.constant 0 : i32
    return %c0_i32, %c0_i32_0, %c0_i32_1 : i32, i32, i32
  }
  func.func @transform_2(%arg0: i32) -> (i32, i32, i32) {
    %c0_i32 = arith.constant 0 : i32
    %c0_i32_0 = arith.constant 0 : i32
    %c0_i32_1 = arith.constant 0 : i32
    return %arg0, %c0_i32, %c0_i32_0 : i32, i32, i32
  }
}

</mosaic_0001>

<sc_bundles>
// kernel: kernel.4.cloned.1.call-start
scs
__scs_entry_jumppad:
0x0: {  	(pc) =	sbr.rel $0x88, $3  }
0x1: {  	(tag) =	ssettag $0x0;
	lr =	simm.s32 $0x1  }
0x2: {  	[smem:$0x3F9E] =	sst lr;
	_ =	strace $0xD0000000  }
0x3: {  	_ = 	snop  }
0x4: {  	_ = 	snop  }
0x5: {  	_ = 	snop  }
0x6: {  	_ = 	snop  }
0x7: {  	_ = 	snop  }
__scs_overlays_trampoline_lowered:
0x8: {  	[smem:$0x3FAD] =	sst s0  }
0x9: {  	[smem:$0x3FAE] =	sst s1  }
0xa: {  	[smem:$0x3FAF] =	sst s2  }
0xb: {  	[smem:$0x3FB0] =	sst s3  }
0xc: {  	[smem:$0x3FB1] =	sst s4  }
0xd: {  	[smem:$0x3FB2] =	sst s5  }
0xe: {  	[smem:$0x3FB3] =	sst s6  }
0xf: {  	[smem:$0x3FB4] =	sst s7  }
0x10: {  	[smem:$0x3FB5] =	sst s8  }
0x11: {  	[smem:$0x3FB6] =	sst s9;
	s0 =	simm.s32 @!p0 $0x0  }
0x12: {  	s1 =	sld [smem:$0x3F9C];
	s0 =	simm.s32 @p0 $0x1  }
0x13: {  	[smem:$0x3FB7] =	sst s0;
	s0 =	simm.s32 @!p1 $0x0  }
0x14: {  	s2 =	sld [smem:$0x3F9B];
	s0 =	simm.s32 @p1 $0x1  }
0x15: {  	[smem:$0x3FB8] =	sst s0;
	s0 =	simm.s32 @!p2 $0x0  }
0x16: {  	s3 =	sld [smem:$0x3FDB];
	s0 =	simm.s32 @p2 $0x1  }
0x17: {  	s4 =	simm.s32 $0x1BF5;
	[smem:$0x3FBA] =	sst s0  }
0x18: {  	s0 =	sld [smem:$0x3F9D];
	_ =	swait.ge [sflag:s4], $0x0  }
0x19: {  	s7 =	sld [smem:$0x3F9E]  }
0x1a: {  	s8 =	sadd.s32 $0xFFFFE003, lr  }
0x1b: {  	s9 =	sadd.s32 $0xFFFFFEF7, lr;
	s5 =	simm.s32 $0xFFFFFFFF;
	p2 =	slt.u32 s8, $0xFFFFF086  }
0x1c: {  	p1 =	slt.u32 s9, $0xF7A;
	s5 =	simm.s32 @!p2 $0x0  }
0x1d: {  	s5 =	simm.s32 @p1 $0x1;
	p0 =	seq.s32 s7, s2  }
0x1e: {  	s7 =	smul.u32 @!p0 $0xF7A, s2;
	p2 =	seq.s32 @!p0 s5, $0x0  }
0x1f: {  	s9 =	smul.u32 $0xF7A, s1;
	s8 =	simm.s32 @!p0 $0x1BF5;
	p2 =	por !p2, p0  }
0x20: {  	[sflag:s8] =	ssyncset.s32 @!p0 $0xFFFFF086;
	s6 =	sadd.s32 @!p0 s3, s7;
	s7 =	simm.s32 @!p0 $0x108  }
0x21: {  	s3 =	sadd.s32 s3, s9;
	s6 =	sadd.s32 @!p0 $0x88, s6;
	s7 =	simm.s32 @p2 $0x1082  }
0x22: {  	[simem:s7], [sflag:s8] =	dma.local @!p0 [hbm:s6], $0xF7A  }
0x23: {  	s9 =	sor.u32 $0xD0000000, s2;
	s6 =	simm.s32 $0x108;
	_ =	swait.ge @!p0 [sflag:s8], $0x0  }
0x24: {  	s3 =	sadd.s32 $0x88, s3;
	s6 =	simm.s32 @!p1 $0x1082;
	[sflag:s4] =	ssyncset.s32 $0xFFFFF086  }
0x25: {  	[simem:s6], [sflag:s4] =	dma.local [hbm:s3], $0xF7A  }
0x26: {  	[smem:$0x3F9E] =	sst s1;
	(tag) =	ssettag s2;
	_ =	strace s9  }
0x27: {  	s1 =	sld [smem:$0x3FAE]  }
0x28: {  	s2 =	sld [smem:$0x3FAF]  }
0x29: {  	s4 =	sld [smem:$0x3FB1]  }
0x2a: {  	p0 =	seq.s32 s5, $0x0;
	s5 =	sld [smem:$0x3FB2]  }
0x2b: {  	s6 =	sld [smem:$0x3FB3]  }
0x2c: {  	s7 =	sld [smem:$0x3FB4]  }
0x2d: {  	s3 =	simm.s32 $0x108;
	s8 =	sld [smem:$0x3FB5]  }
0x2e: {  	s3 =	simm.s32 @!p0 $0x1082;
	s9 =	sld [smem:$0x3FB6]  }
0x2f: {  	lr =	sadd.s32 s0, s3;
	s0 =	sld [smem:$0x3FAD]  }
0x30: {  	s3 =	sld [smem:$0x3FB0]  }
0x31: {  	[smem:$0x3FB9] =	sst s10  }
0x32: {  	s10 =	sld [smem:$0x3FB7];
	_ =	sdelay $0x3  }
0x33: {  	p0 =	seq.s32 s10, $0x1;
	s10 =	sld [smem:$0x3FB9];
	_ =	sdelay $0x3  }
0x34: {  	[smem:$0x3FB9] =	sst s10  }
0x35: {  	s10 =	sld [smem:$0x3FB8];
	_ =	sdelay $0x3  }
0x36: {  	p1 =	seq.s32 s10, $0x1;
	s10 =	sld [smem:$0x3FB9];
	_ =	sdelay $0x3  }
0x37: {  	[smem:$0x3FB9] =	sst s10  }
0x38: {  	s10 =	sld [smem:$0x3FBA]  }
0x39: {  	_ = 	snop;
	(pc) =	sbr.ind lr, $3  }
0x3a: {  	_ = 	snop  }
0x3b: {  	_ = 	snop  }
0x3c: {  	p2 =	seq.s32 s10, $0x1;
	s10 =	sld [smem:$0x3FB9]  }
0x3d: {  	_ =	shalt  }
0x3e: {  	_ =	shalt  }
0x3f: {  	_ =	shalt  }
0x40: {  	_ =	shalt  }
0x41: {  	_ =	shalt  }
0x42: {  	_ =	shalt  }
0x43: {  	_ =	shalt  }
0x44: {  	_ =	shalt  }
0x45: {  	_ =	shalt  }
0x46: {  	_ =	shalt  }
0x47: {  	_ =	shalt  }
0x48: {  	_ =	shalt  }
0x49: {  	_ =	shalt  }
0x4a: {  	_ =	shalt  }
0x4b: {  	_ =	shalt  }
0x4c: {  	_ =	shalt  }
0x4d: {  	_ =	shalt  }
0x4e: {  	_ =	shalt  }
0x4f: {  	_ =	shalt  }
0x50: {  	_ =	shalt  }
0x51: {  	_ =	shalt  }
0x52: {  	_ =	shalt  }
0x53: {  	_ =	shalt  }
0x54: {  	_ =	shalt  }
0x55: {  	_ =	shalt  }
0x56: {  	_ =	shalt  }
0x57: {  	_ =	shalt  }
0x58: {  	_ =	shalt  }
0x59: {  	_ =	shalt  }
0x5a: {  	_ =	shalt  }
0x5b: {  	_ =	shalt  }
0x5c: {  	_ =	shalt  }
0x5d: {  	_ =	shalt  }
0x5e: {  	_ =	shalt  }
0x5f: {  	_ =	shalt  }
0x60: {  	_ =	shalt  }
0x61: {  	_ =	shalt  }
0x62: {  	_ =	shalt  }
0x63: {  	_ =	shalt  }
0x64: {  	_ =	shalt  }
0x65: {  	_ =	shalt  }
0x66: {  	_ =	shalt  }
0x67: {  	_ =	shalt  }
0x68: {  	_ =	shalt  }
0x69: {  	_ =	shalt  }
0x6a: {  	_ =	shalt  }
0x6b: {  	_ =	shalt  }
0x6c: {  	_ =	shalt  }
0x6d: {  	_ =	shalt  }
0x6e: {  	_ =	shalt  }
0x6f: {  	_ =	shalt  }
0x70: {  	_ =	shalt  }
0x71: {  	_ =	shalt  }
0x72: {  	_ =	shalt  }
0x73: {  	_ =	shalt  }
0x74: {  	_ =	shalt  }
0x75: {  	_ =	shalt  }
0x76: {  	_ =	shalt  }
0x77: {  	_ =	shalt  }
0x78: {  	_ =	shalt  }
0x79: {  	_ =	shalt  }
0x7a: {  	_ =	shalt  }
0x7b: {  	_ =	shalt  }
0x7c: {  	_ =	shalt  }
0x7d: {  	_ =	shalt  }
0x7e: {  	_ =	shalt  }
0x7f: {  	_ =	shalt  }
0x80: {  	_ =	shalt  }
0x81: {  	_ =	shalt  }
0x82: {  	_ =	shalt  }
0x83: {  	_ =	shalt  }
0x84: {  	_ =	shalt  }
0x85: {  	_ =	shalt  }
0x86: {  	_ =	shalt  }
0x87: {  	_ =	shalt  }
.Lfunc_end0:
.L_simem_size_0:
called_computation_lowered:
.L_overlay_start_0:
0x88: {  	s2 =	sld [smem:$0x3FD9]  }
0x89: {  	s3 =	sld [smem:$0x3FFE];
	_ =	sdelay $0x1  }
0x8a: {  	s1 =	srdreg.scid  }
0x8b: {  	s0 =	sand.u32 $0x1, s1  }
0x8c: {  	s16 =	sshll.u32 s0, $0xA;
	s2 =	sadd.s32 s3, s2  }
0x8d: {  	s2 =	sadd.s32 s2, s16  }
0x8e: {  	[smem:$0x3FC5] =	sst s2  }
0x8f: {  	_ = 	snop  }
0x90: {  	(tm) =	ssettm $0x1  }
0x91: {  	s17 =	sld [smem:$0x3FFB];
	_ =	sdelay $0x3  }
0x92: {  	_ =	strace s17  }
0x93: {  	s2 =	sld [smem:$0x3FFC];
	_ =	sdelay $0x3  }
0x94: {  	_ =	strace s2  }
0x95: {  	s2 =	sld [smem:$0x3FFD];
	_ =	sdelay $0x3  }
0x96: {  	_ =	strace s2  }
0x97: {  	_ =	strace $0x8FFFFFFF  }
0x98: {  	s18 =	sld [smem:$0x3FDB];
	_ =	sdelay $0x1  }
0x99: {  	s19 =	simm.s32 $_scs_section_size  }
0x9a: {  	s4 =	simm.s32 $_size__tile_overlayer_lowered;
	s5 =	simm.s32 $_tile_overlayer_lowered  }
0x9b: {  	s22 =	simm.s32 $0x1BFF;
	s21 =	sshll.u32 s5, $0x1;
	s2 =	sadd.s32 s19, s18  }
0x9c: {  	s6 =	simm.s32 $0x0;
	s20 =	sshll.u32 s4, $0x1;
	s4 =	sadd.s32 s21, s2  }
0x9d: {  	[timem:s6], [sflag:s22] =	dma.local [hbm:s4], s20  }
0x9e: {  	_ =	swait.ge [sflag:s22], s20  }
0x9f: {  	s3 =	ssub.s32 $0x0, s20;
	[sflag:s22] =	ssyncset.done $0x0  }
0xa0: {  	[sflag:s22] =	ssyncadd.s32 s3;
	_ =	sdelay $0x1  }
0xa1: {  	s23 =	simm.s32 $0x1B8B  }
0xa2: {  	_ =	swait.ge [sflag:s23], $0x1  }
0xa3: {  	[sflag:s23] =	ssyncset.done $0x0  }
0xa4: {  	s25 =	simm.s32 $0x1B8E;
	s24 =	sld [smem:$0x3FFE];
	[sflag:s23] =	ssyncadd.s32 $0xFFFFFFFF  }
0xa5: {  	s26 =	simm.s32 $execute0_lowered;
	[smem:$0x3FD2] =	sst s25  }
0xa6: {  	s4 =	sshll.u32 s26, $0x1;
	_ =	strace $0x80000046;
	[dreg:$0x1] =	wrdreg $0xFFFFFFFF  }
0xa7: {  	s28 =	simm.s32 $_size_execute0_lowered;
	s2 =	sadd.s32 s2, s4;
	[dreg:$0x0] =	wrdreg $0x0  }
0xa8: {  	s4 =	sshll.u32 s28, $0x1;
	[dreg:$0x2] =	wrdreg s2  }
0xa9: {  	[dreg:$0x3] =	wrdreg s4  }
0xaa: {  	[dreg:$0x4] =	wrdreg $0xC0  }
0xab: {  	_ =	task [dreg:s6], $0x5FFFF  }
0xac: {  	[dreg:$0x1] =	wrdreg $0xFFFFFFFF  }
0xad: {  	[dreg:$0x0] =	wrdreg $0x60  }
0xae: {  	[dreg:$0x2] =	wrdreg s24  }
0xaf: {  	[dreg:$0x3] =	wrdreg $0x9  }
0xb0: {  	_ =	task.clear_ibuf [dreg:s6], $0x4FFFF;
	_ =	strace $0x90000046  }
0xb1: {  	s29 =	simm.s32 $0x9;
	_ =	strace $0x80000048  }
0xb2: {  	_ =	swait.ge [sflag:s29], $0x1  }
0xb3: {  	[sflag:s29] =	ssyncadd.s32 $0xFFFFFFFF  }
0xb4: {  	_ =	strace $0x90000048  }
0xb5: {  	_ =	sfence  }
0xb6: {  	s30 =	sld [smem:$0x0];
	_ =	sdelay $0x2  }
0xb7: {  	s31 =	sshll.u32 s1, $0xD;
	s1 =	sshrl.u32 s1, $0x2  }
0xb8: {  	s3 =	sand.u32 $0x4000, s31;
	s1 =	sadd.s32 s1, s30  }
0xb9: {  	s0 =	sor.u32 s3, s0;
	s1 =	sshll.u32 s1, $0x11  }
0xba: {  	s0 =	sor.u32 s1, s0  }
0xbb: {  	s0 =	sadd.s32 $0x8F2B, s0  }
0xbc: {  	[sflag:s0] =	ssyncadd.remote.s32 $0x1  }
0xbd: {  	_ =	sfence.sel $0xFFFF  }
0xbe: {  	[dreg:$0x0] =	wrdreg $0xFFFFFFFF;
	(pc) =	sbr.abs _section_cstart, $3  }
0xbf: {  	[dreg:$0x1] =	wrdreg $0xFFFFFFFF  }
0xc0: {  	_ =	task.clear_ibuf [dreg:s6], $0x2FFFF;
	_ =	strace $0x9FFFFFFF  }
0xc1: {  	(tm) =	ssettm $0x7FFFFFFF  }
tec
execute0_lowered:
.L_overlay_start_1:
0x0: {  	(tag) =	ssettag $0x1  }
0x1: {  	s1 =	rddreg [dreg:$0x0]  }
0x2: {  	s0 =	rddreg [dreg:$0x1];
	s2 =	simm.s32 $0x0;
	s7 =	srdreg.scid  }
0x3: {  	s3 =	stileid.u32;
	s21 =	simm.s32 $0x2;
	s22 =	simm.s32 $0x80  }
0x4: {  	s23 =	simm.s32 $0x100;
	s24 =	simm.s32 $0x180;
	s25 =	simm.s32 $0x1  }
0x5: {  	s26 =	simm.s32 $0x200;
	s28 =	simm.s32 $0x280;
	[smem:$0x7FF] =	sst s2  }
0x6: {  	s4 =	sadd.s32 $0x400, s1;
	s5 =	sadd.s32 $0xC00, s1;
	s6 =	sadd.s32 $0x800, s1  }
0x7: {  	s10 =	sadd.s32 $0x1000, s1;
	s7 =	sand.u32 $0x1, s7;
	s8 =	sshll.u32 s3, $0x1  }
0x8: {  	s16 =	sadd.s32 $0x1400, s1;
	s8 =	sor.u32 s7, s8;
	s7 =	ssub.s32 $0x2, s7  }
0x9: {  	_ =	strace $0x80000047;
	s9 =	sshll.u32 s8, $0x4;
	s11 =	sshrl.u32 s7, $0x1  }
0xa: {  	s15 =	sshll.u32 s8, $0x5;
	s19 =	sadd.s32 s9, s1;
	s20 =	ssub.s32 s7, s11  }
0xb: {  	s7 =	sadd.s32 s10, s15;
	s8 =	sadd.s32 s4, s15;
	s9 =	sadd.s32 s1, s15  }
0xc: {  	s18 =	sor.u32 $0x10, s15;
	s13 =	sadd.s32 s16, s15;
	s14 =	sadd.s32 s5, s15  }
0xd: {  	s15 =	sadd.s32 s6, s15;
	s10 =	sadd.s32 s10, s18;
	s11 =	sadd.s32 s4, s18  }
0xe: {  	s12 =	sadd.s32 s1, s18;
	s16 =	sadd.s32 s16, s18;
	s17 =	sadd.s32 s5, s18  }
0xf: {  	s18 =	sadd.s32 s6, s18;
	s19 =	sadd.s32 $0x1800, s19;
	s20 =	smax.u32 s20, $0x1  }
.LBB2_1:
0x10: {  	[tilespmem:s2], [sflag:$0x2] =	stream.linear.gather [hbm4b:s7+s2], $0x80, $0x38;
	[tilespmem:$0x300] =	vst v63  }
0x11: {  	_ =	swait.ge [sflag:s21], $0x80  }
0x12: {  	[sflag:s21] =	ssyncset.done $0x0  }
0x13: {  	[sflag:s21] =	ssyncadd.s32 $0xFFFFFF80  }
0x14: {  	[tilespmem:s22], [sflag:$0x2] =	stream.linear.gather [hbm4b:s8+s2], $0x80, $0x38;
	[tilespmem:$0x300] =	vst v63  }
0x15: {  	_ =	swait.ge [sflag:s21], $0x80  }
0x16: {  	[sflag:s21] =	ssyncset.done $0x0  }
0x17: {  	[sflag:s21] =	ssyncadd.s32 $0xFFFFFF80  }
0x18: {  	[tilespmem:s23], [sflag:$0x2] =	stream.linear.gather [hbm4b:s9+s2], $0x80, $0x38;
	[tilespmem:$0x300] =	vst v63  }
0x19: {  	_ =	swait.ge [sflag:s21], $0x80  }
0x1a: {  	[sflag:s21] =	ssyncset.done $0x0  }
0x1b: {  	[sflag:s21] =	ssyncadd.s32 $0xFFFFFF80  }
0x1c: {  	[tilespmem:s24], [sflag:$0x1] =	stream.indirect.gather [hbm4b:s5+s22], $0x1, s2, s22, $0xb8;
	[tilespmem:$0x300] =	vst v63  }
0x1d: {  	_ =	swait.ge [sflag:s25], $0x80  }
0x1e: {  	[sflag:s25] =	ssyncset.done $0x0  }
0x1f: {  	[sflag:s25] =	ssyncadd.s32 $0xFFFFFF80  }
0x20: {  	[tilespmem:s26], [sflag:$0x1] =	stream.indirect.gather [hbm4b:s6+s22], $0x1, s2, s22, $0xb8;
	[tilespmem:$0x300] =	vst v63  }
0x21: {  	_ =	swait.ge [sflag:s25], $0x80  }
0x22: {  	[sflag:s25] =	ssyncset.done $0x0  }
0x23: {  	[sflag:s25] =	ssyncadd.s32 $0xFFFFFF80  }
0x24: {  	v0 =	vld [tilespmem:$0x80]  }
0x25: {  	v1 =	vld [tilespmem:$0x180]  }
0x26: {  	v2 =	vld [tilespmem:$0x100]  }
0x27: {  	v3 =	vld [tilespmem:$0x200]  }
0x28: {  	v4 =	vld [tilespmem:$0x90]  }
0x29: {  	v5 =	vld [tilespmem:$0x190]  }
0x2a: {  	v6 =	vld [tilespmem:$0x110]  }
0x2b: {  	v7 =	vld [tilespmem:$0x210]  }
0x2c: {  	v8 =	vld [tilespmem:$0xA0]  }
0x2d: {  	v9 =	vld [tilespmem:$0x1A0]  }
0x2e: {  	v10 =	vld [tilespmem:$0x120]  }
0x2f: {  	v11 =	vld [tilespmem:$0x220]  }
0x30: {  	v12 =	vld [tilespmem:$0xB0]  }
0x31: {  	v13 =	vld [tilespmem:$0x1B0]  }
0x32: {  	v14 =	vld [tilespmem:$0x130]  }
0x33: {  	v15 =	vld [tilespmem:$0x230]  }
0x34: {  	v16 =	vld [tilespmem:$0xC0]  }
0x35: {  	v17 =	vld [tilespmem:$0x1C0]  }
0x36: {  	v18 =	vld [tilespmem:$0x140]  }
0x37: {  	v19 =	vld [tilespmem:$0x240]  }
0x38: {  	v20 =	vld [tilespmem:$0xD0]  }
0x39: {  	v21 =	vld [tilespmem:$0x1D0]  }
0x3a: {  	v22 =	vld [tilespmem:$0x150]  }
0x3b: {  	v23 =	vld [tilespmem:$0x250]  }
0x3c: {  	v24 =	vld [tilespmem:$0xE0]  }
0x3d: {  	v25 =	vld [tilespmem:$0x1E0]  }
0x3e: {  	v26 =	vld [tilespmem:$0x160]  }
0x3f: {  	v27 =	vld [tilespmem:$0x260]  }
0x40: {  	v28 =	vld [tilespmem:$0xF0]  }
0x41: {  	v29 =	vld [tilespmem:$0x1F0]  }
0x42: {  	v30 =	vld [tilespmem:$0x170]  }
0x43: {  	v31 =	vld [tilespmem:$0x270];
	[tilespmem:s2], [sflag:$0x2] =	stream.linear.gather [hbm4b:s10+s2], $0x80, $0x38  }
0x44: {  	_ =	swait.ge [sflag:s21], $0x80  }
0x45: {  	[sflag:s21] =	ssyncset.done $0x0  }
0x46: {  	[sflag:s21] =	ssyncadd.s32 $0xFFFFFF80  }
0x47: {  	[tilespmem:s22], [sflag:$0x2] =	stream.linear.gather [hbm4b:s11+s2], $0x80, $0x38;
	[tilespmem:$0x300] =	vst v63  }
0x48: {  	_ =	swait.ge [sflag:s21], $0x80  }
0x49: {  	[sflag:s21] =	ssyncset.done $0x0  }
0x4a: {  	[sflag:s21] =	ssyncadd.s32 $0xFFFFFF80  }
0x4b: {  	[tilespmem:s23], [sflag:$0x2] =	stream.linear.gather [hbm4b:s12+s2], $0x80, $0x38;
	[tilespmem:$0x300] =	vst v63  }
0x4c: {  	_ =	swait.ge [sflag:s21], $0x80  }
0x4d: {  	[sflag:s21] =	ssyncset.done $0x0  }
0x4e: {  	[sflag:s21] =	ssyncadd.s32 $0xFFFFFF80  }
0x4f: {  	[tilespmem:s24], [sflag:$0x1] =	stream.indirect.gather [hbm4b:s5+s22], $0x1, s2, s22, $0xb8;
	[tilespmem:$0x300] =	vst v63  }
0x50: {  	_ =	swait.ge [sflag:s25], $0x80  }
0x51: {  	[sflag:s25] =	ssyncset.done $0x0  }
0x52: {  	[sflag:s25] =	ssyncadd.s32 $0xFFFFFF80  }
0x53: {  	[tilespmem:s26], [sflag:$0x1] =	stream.indirect.gather [hbm4b:s6+s22], $0x1, s2, s22, $0xb8;
	[tilespmem:$0x300] =	vst v63  }
0x54: {  	_ =	swait.ge [sflag:s25], $0x80  }
0x55: {  	[sflag:s25] =	ssyncset.done $0x0  }
0x56: {  	[sflag:s25] =	ssyncadd.s32 $0xFFFFFF80  }
0x57: {  	v32 =	vld [tilespmem:$0x80]  }
0x58: {  	v33 =	vld [tilespmem:$0x180]  }
0x59: {  	v34 =	vld [tilespmem:$0x100]  }
0x5a: {  	v35 =	vld [tilespmem:$0x200]  }
0x5b: {  	v36 =	vld [tilespmem:$0x90]  }
0x5c: {  	v37 =	vld [tilespmem:$0x190]  }
0x5d: {  	v0 =	vsub.f32 v0, v1;
	v1 =	vld [tilespmem:$0x110]  }
0x5e: {  	v2 =	vsub.f32 v2, v3;
	v54 =	vsub.f32 v4, v5;
	v4 =	vld [tilespmem:$0x210]  }
0x5f: {  	v55 =	vsub.f32 v6, v7;
	v56 =	vsub.f32 v8, v9;
	v6 =	vld [tilespmem:$0xA0]  }
0x60: {  	v58 =	vsub.f32 v10, v11;
	v0 =	vand.u32 $0x7FFFFFFF, v0;
	v3 =	vand.u32 $0x7FFFFFFF, v54;
	v8 =	vld [tilespmem:$0x1A0]  }
0x61: {  	v2 =	vand.u32 $0x7FFFFFFF, v2;
	v57 =	vand.u32 $0x7FFFFFFF, v55;
	v0 =	vadd.f32 v3, v0;
	v9 =	vld [tilespmem:$0x120]  }
0x62: {  	v60 =	vsub.f32 v12, v13;
	v59 =	vand.u32 $0x7FFFFFFF, v56;
	v2 =	vadd.f32 v57, v2;
	v10 =	vld [tilespmem:$0x220]  }
0x63: {  	v62 =	vsub.f32 v14, v15;
	v61 =	vand.u32 $0x7FFFFFFF, v58;
	v0 =	vadd.f32 v59, v0;
	v11 =	vld [tilespmem:$0xB0]  }
0x64: {  	v16 =	vsub.f32 v16, v17;
	v63 =	vand.u32 $0x7FFFFFFF, v60;
	v2 =	vadd.f32 v61, v2;
	v12 =	vld [tilespmem:$0x1B0]  }
0x65: {  	v38 =	vsub.f32 v18, v19;
	v17 =	vand.u32 $0x7FFFFFFF, v62;
	v0 =	vadd.f32 v63, v0;
	v39 =	vld [tilespmem:$0x130]  }
0x66: {  	v41 =	vsub.f32 v20, v21;
	v40 =	vand.u32 $0x7FFFFFFF, v16;
	v2 =	vadd.f32 v17, v2;
	v42 =	vld [tilespmem:$0x230]  }
0x67: {  	v44 =	vsub.f32 v22, v23;
	v43 =	vand.u32 $0x7FFFFFFF, v38;
	v0 =	vadd.f32 v40, v0;
	v45 =	vld [tilespmem:$0xC0]  }
0x68: {  	v47 =	vsub.f32 v24, v25;
	v46 =	vand.u32 $0x7FFFFFFF, v41;
	v2 =	vadd.f32 v43, v2;
	v48 =	vld [tilespmem:$0x1C0]  }
0x69: {  	v50 =	vsub.f32 v26, v27;
	v49 =	vand.u32 $0x7FFFFFFF, v44;
	v0 =	vadd.f32 v46, v0;
	v51 =	vld [tilespmem:$0x140]  }
0x6a: {  	v53 =	vsub.f32 v28, v29;
	v52 =	vand.u32 $0x7FFFFFFF, v47;
	v2 =	vadd.f32 v49, v2;
	v54 =	vld [tilespmem:$0x240]  }
0x6b: {  	v55 =	vand.u32 $0x7FFFFFFF, v50;
	v56 =	vsub.f32 v30, v31;
	v0 =	vadd.f32 v52, v0;
	v57 =	vld [tilespmem:$0xD0]  }
0x6c: {  	v58 =	vand.u32 $0x7FFFFFFF, v53;
	v2 =	vadd.f32 v55, v2;
	v60 =	vld [tilespmem:$0x1D0];
	v59 =	vsub.f32 v32, v33  }
0x6d: {  	v61 =	vand.u32 $0x7FFFFFFF, v56;
	v0 =	vadd.f32 v58, v0;
	v63 =	vld [tilespmem:$0x150];
	v62 =	vsub.f32 v34, v35  }
0x6e: {  	v2 =	vadd.f32 v61, v2;
	v26 =	vld [tilespmem:$0x250];
	v25 =	vsub.f32 v36, v37;
	v24 =	vand.u32 $0x7FFFFFFF, v59  }
0x6f: {  	v28 =	vld [tilespmem:$0xE0];
	v1 =	vsub.f32 v1, v4;
	v27 =	vand.u32 $0x7FFFFFFF, v62;
	v0 =	vadd.f32 v24, v0  }
0x70: {  	v31 =	vld [tilespmem:$0x1E0];
	v30 =	vsub.f32 v6, v8;
	v29 =	vand.u32 $0x7FFFFFFF, v25;
	v2 =	vadd.f32 v27, v2  }
0x71: {  	v32 =	vsub.f32 v9, v10;
	v33 =	vld [tilespmem:$0x160];
	v1 =	vand.u32 $0x7FFFFFFF, v1;
	v0 =	vadd.f32 v29, v0  }
0x72: {  	v35 =	vsub.f32 v11, v12;
	v36 =	vld [tilespmem:$0x260];
	v34 =	vand.u32 $0x7FFFFFFF, v30;
	v1 =	vadd.f32 v1, v2  }
0x73: {  	v38 =	vsub.f32 v39, v42;
	v39 =	vld [tilespmem:$0xF0];
	v37 =	vand.u32 $0x7FFFFFFF, v32;
	v0 =	vadd.f32 v34, v0  }
0x74: {  	v41 =	vsub.f32 v45, v48;
	v42 =	vld [tilespmem:$0x1F0];
	v40 =	vand.u32 $0x7FFFFFFF, v35;
	v1 =	vadd.f32 v37, v1  }
0x75: {  	v44 =	vsub.f32 v51, v54;
	v45 =	vld [tilespmem:$0x170];
	v43 =	vand.u32 $0x7FFFFFFF, v38;
	v0 =	vadd.f32 v40, v0  }
0x76: {  	v47 =	vsub.f32 v57, v60;
	v48 =	vld [tilespmem:$0x270];
	v46 =	vand.u32 $0x7FFFFFFF, v41;
	v1 =	vadd.f32 v43, v1  }
0x77: {  	v50 =	vsub.f32 v63, v26;
	v49 =	vand.u32 $0x7FFFFFFF, v44;
	v0 =	vadd.f32 v46, v0  }
0x78: {  	v4 =	vsub.f32 v28, v31;
	v51 =	vand.u32 $0x7FFFFFFF, v47;
	v1 =	vadd.f32 v49, v1  }
0x79: {  	v52 =	vand.u32 $0x7FFFFFFF, v50;
	v53 =	vsub.f32 v33, v36;
	v0 =	vadd.f32 v51, v0  }
0x7a: {  	v54 =	vand.u32 $0x7FFFFFFF, v4;
	v55 =	vsub.f32 v39, v42;
	v1 =	vadd.f32 v52, v1  }
0x7b: {  	v57 =	vsub.f32 v45, v48;
	v56 =	vand.u32 $0x7FFFFFFF, v53;
	v0 =	vadd.f32 v54, v0  }
0x7c: {  	v58 =	vand.u32 $0x7FFFFFFF, v55;
	v1 =	vadd.f32 v56, v1  }
0x7d: {  	v59 =	vand.u32 $0x7FFFFFFF, v57;
	v0 =	vadd.f32 v58, v0  }
0x7e: {  	v1 =	vadd.f32 v59, v1  }
0x7f: {  	[tilespmem:$0x280] =	vst v0  }
0x80: {  	[tilespmem:$0x290] =	vst v1  }
0x81: {  	[tilespmem:s2], [sflag:$0x2] =	stream.linear.gather [hbm4b:s13+s2], $0x80, $0x38;
	[tilespmem:$0x300] =	vst v63  }
0x82: {  	_ =	swait.ge [sflag:s21], $0x80  }
0x83: {  	[sflag:s21] =	ssyncset.done $0x0  }
0x84: {  	[sflag:s21] =	ssyncadd.s32 $0xFFFFFF80  }
0x85: {  	[tilespmem:s22], [sflag:$0x2] =	stream.linear.gather [hbm4b:s14+s2], $0x80, $0x38;
	[tilespmem:$0x300] =	vst v63  }
0x86: {  	_ =	swait.ge [sflag:s21], $0x80  }
0x87: {  	[sflag:s21] =	ssyncset.done $0x0  }
0x88: {  	[sflag:s21] =	ssyncadd.s32 $0xFFFFFF80  }
0x89: {  	[tilespmem:s23], [sflag:$0x2] =	stream.linear.gather [hbm4b:s15+s2], $0x80, $0x38;
	[tilespmem:$0x300] =	vst v63  }
0x8a: {  	_ =	swait.ge [sflag:s21], $0x80  }
0x8b: {  	[sflag:s21] =	ssyncset.done $0x0  }
0x8c: {  	[sflag:s21] =	ssyncadd.s32 $0xFFFFFF80  }
0x8d: {  	[tilespmem:s24], [sflag:$0x1] =	stream.indirect.gather [hbm4b:s4+s22], $0x1, s2, s22, $0xb8;
	[tilespmem:$0x300] =	vst v63  }
0x8e: {  	_ =	swait.ge [sflag:s25], $0x80  }
0x8f: {  	[sflag:s25] =	ssyncset.done $0x0  }
0x90: {  	[sflag:s25] =	ssyncadd.s32 $0xFFFFFF80  }
0x91: {  	[tilespmem:s26], [sflag:$0x1] =	stream.indirect.gather [hbm4b:s1+s22], $0x1, s2, s22, $0xb8;
	[tilespmem:$0x300] =	vst v63  }
0x92: {  	_ =	swait.ge [sflag:s25], $0x80  }
0x93: {  	[sflag:s25] =	ssyncset.done $0x0  }
0x94: {  	[sflag:s25] =	ssyncadd.s32 $0xFFFFFF80  }
0x95: {  	v0 =	vld [tilespmem:$0x80]  }
0x96: {  	v1 =	vld [tilespmem:$0x180]  }
0x97: {  	v2 =	vld [tilespmem:$0x100]  }
0x98: {  	v3 =	vld [tilespmem:$0x200]  }
0x99: {  	v60 =	vld [tilespmem:$0x90]  }
0x9a: {  	v61 =	vld [tilespmem:$0x190]  }
0x9b: {  	v62 =	vld [tilespmem:$0x110]  }
0x9c: {  	v63 =	vld [tilespmem:$0x210]  }
0x9d: {  	v40 =	vld [tilespmem:$0xA0]  }
0x9e: {  	v41 =	vld [tilespmem:$0x1A0]  }
0x9f: {  	v42 =	vld [tilespmem:$0x120]  }
0xa0: {  	v43 =	vld [tilespmem:$0x220]  }
0xa1: {  	v44 =	vld [tilespmem:$0xB0]  }
0xa2: {  	v45 =	vld [tilespmem:$0x1B0]  }
0xa3: {  	v46 =	vld [tilespmem:$0x130]  }
0xa4: {  	v47 =	vld [tilespmem:$0x230]  }
0xa5: {  	v48 =	vld [tilespmem:$0xC0]  }
0xa6: {  	v49 =	vld [tilespmem:$0x1C0]  }
0xa7: {  	v50 =	vld [tilespmem:$0x140]  }
0xa8: {  	v51 =	vld [tilespmem:$0x240]  }
0xa9: {  	v52 =	vld [tilespmem:$0xD0]  }
0xaa: {  	v53 =	vld [tilespmem:$0x1D0]  }
0xab: {  	v54 =	vld [tilespmem:$0x150]  }
0xac: {  	v55 =	vld [tilespmem:$0x250]  }
0xad: {  	v56 =	vld [tilespmem:$0xE0]  }
0xae: {  	v57 =	vld [tilespmem:$0x1E0]  }
0xaf: {  	v58 =	vld [tilespmem:$0x160]  }
0xb0: {  	v59 =	vld [tilespmem:$0x260]  }
0xb1: {  	v28 =	vld [tilespmem:$0xF0]  }
0xb2: {  	v29 =	vld [tilespmem:$0x1F0]  }
0xb3: {  	v30 =	vld [tilespmem:$0x170]  }
0xb4: {  	v31 =	vld [tilespmem:$0x270];
	[tilespmem:s2], [sflag:$0x2] =	stream.linear.gather [hbm4b:s16+s2], $0x80, $0x38  }
0xb5: {  	_ =	swait.ge [sflag:s21], $0x80  }
0xb6: {  	[sflag:s21] =	ssyncset.done $0x0  }
0xb7: {  	[sflag:s21] =	ssyncadd.s32 $0xFFFFFF80  }
0xb8: {  	[tilespmem:s22], [sflag:$0x2] =	stream.linear.gather [hbm4b:s17+s2], $0x80, $0x38;
	[tilespmem:$0x300] =	vst v63  }
0xb9: {  	_ =	swait.ge [sflag:s21], $0x80  }
0xba: {  	[sflag:s21] =	ssyncset.done $0x0  }
0xbb: {  	[sflag:s21] =	ssyncadd.s32 $0xFFFFFF80  }
0xbc: {  	[tilespmem:s23], [sflag:$0x2] =	stream.linear.gather [hbm4b:s18+s2], $0x80, $0x38;
	[tilespmem:$0x300] =	vst v63  }
0xbd: {  	_ =	swait.ge [sflag:s21], $0x80  }
0xbe: {  	[sflag:s21] =	ssyncset.done $0x0  }
0xbf: {  	[sflag:s21] =	ssyncadd.s32 $0xFFFFFF80  }
0xc0: {  	[tilespmem:s24], [sflag:$0x1] =	stream.indirect.gather [hbm4b:s4+s22], $0x1, s2, s22, $0xb8;
	[tilespmem:$0x300] =	vst v63  }
0xc1: {  	_ =	swait.ge [sflag:s25], $0x80  }
0xc2: {  	[sflag:s25] =	ssyncset.done $0x0  }
0xc3: {  	[sflag:s25] =	ssyncadd.s32 $0xFFFFFF80  }
0xc4: {  	[tilespmem:s26], [sflag:$0x1] =	stream.indirect.gather [hbm4b:s1+s22], $0x1, s2, s22, $0xb8;
	[tilespmem:$0x300] =	vst v63  }
0xc5: {  	_ =	swait.ge [sflag:s25], $0x80  }
0xc6: {  	[sflag:s25] =	ssyncset.done $0x0  }
0xc7: {  	[sflag:s25] =	ssyncadd.s32 $0xFFFFFF80  }
0xc8: {  	v32 =	vld [tilespmem:$0x80]  }
0xc9: {  	v33 =	vld [tilespmem:$0x180]  }
0xca: {  	v34 =	vld [tilespmem:$0x100]  }
0xcb: {  	v35 =	vld [tilespmem:$0x200]  }
0xcc: {  	v36 =	vld [tilespmem:$0x90]  }
0xcd: {  	v37 =	vld [tilespmem:$0x190]  }
0xce: {  	v0 =	vsub.f32 v0, v1;
	v4 =	vld [tilespmem:$0x110]  }
0xcf: {  	v60 =	vsub.f32 v60, v61;
	v2 =	vsub.f32 v2, v3;
	v3 =	vld [tilespmem:$0x210]  }
0xd0: {  	v61 =	vsub.f32 v62, v63;
	v62 =	vsub.f32 v40, v41;
	v6 =	vld [tilespmem:$0xA0]  }
0xd1: {  	v63 =	vsub.f32 v42, v43;
	v0 =	vand.u32 $0x7FFFFFFF, v0;
	v1 =	vand.u32 $0x7FFFFFFF, v60;
	v7 =	vld [tilespmem:$0x1A0]  }
0xd2: {  	v2 =	vand.u32 $0x7FFFFFFF, v2;
	v5 =	vand.u32 $0x7FFFFFFF, v61;
	v0 =	vadd.f32 v1, v0;
	v9 =	vld [tilespmem:$0x120]  }
0xd3: {  	v38 =	vsub.f32 v44, v45;
	v2 =	vadd.f32 v5, v2;
	v1 =	vand.u32 $0x7FFFFFFF, v62;
	v10 =	vld [tilespmem:$0x220]  }
0xd4: {  	v40 =	vsub.f32 v46, v47;
	v39 =	vand.u32 $0x7FFFFFFF, v63;
	v0 =	vadd.f32 v1, v0;
	v11 =	vld [tilespmem:$0xB0]  }
0xd5: {  	v42 =	vsub.f32 v48, v49;
	v41 =	vand.u32 $0x7FFFFFFF, v38;
	v1 =	vadd.f32 v39, v2;
	v43 =	vld [tilespmem:$0x1B0]  }
0xd6: {  	v45 =	vsub.f32 v50, v51;
	v44 =	vand.u32 $0x7FFFFFFF, v40;
	v0 =	vadd.f32 v41, v0;
	v46 =	vld [tilespmem:$0x130]  }
0xd7: {  	v48 =	vsub.f32 v52, v53;
	v47 =	vand.u32 $0x7FFFFFFF, v42;
	v1 =	vadd.f32 v44, v1;
	v49 =	vld [tilespmem:$0x230]  }
0xd8: {  	v51 =	vsub.f32 v54, v55;
	v50 =	vand.u32 $0x7FFFFFFF, v45;
	v0 =	vadd.f32 v47, v0;
	v52 =	vld [tilespmem:$0xC0]  }
0xd9: {  	v54 =	vsub.f32 v56, v57;
	v53 =	vand.u32 $0x7FFFFFFF, v48;
	v1 =	vadd.f32 v50, v1;
	v55 =	vld [tilespmem:$0x1C0]  }
0xda: {  	v57 =	vsub.f32 v58, v59;
	v56 =	vand.u32 $0x7FFFFFFF, v51;
	v0 =	vadd.f32 v53, v0;
	v58 =	vld [tilespmem:$0x140]  }
0xdb: {  	v59 =	vand.u32 $0x7FFFFFFF, v54;
	v60 =	vsub.f32 v28, v29;
	v1 =	vadd.f32 v56, v1;
	v61 =	vld [tilespmem:$0x240]  }
0xdc: {  	v63 =	vsub.f32 v30, v31;
	v62 =	vand.u32 $0x7FFFFFFF, v57;
	v0 =	vadd.f32 v59, v0;
	v24 =	vld [tilespmem:$0xD0]  }
0xdd: {  	v25 =	vand.u32 $0x7FFFFFFF, v60;
	v1 =	vadd.f32 v62, v1;
	v27 =	vld [tilespmem:$0x1D0];
	v26 =	vsub.f32 v32, v33  }
0xde: {  	v28 =	vand.u32 $0x7FFFFFFF, v63;
	v0 =	vadd.f32 v25, v0;
	v30 =	vld [tilespmem:$0x150];
	v29 =	vsub.f32 v34, v35  }
0xdf: {  	v1 =	vadd.f32 v28, v1;
	v38 =	vld [tilespmem:$0x1E0];
	v32 =	vsub.f32 v36, v37;
	v31 =	vand.u32 $0x7FFFFFFF, v26  }
0xe0: {  	v41 =	vld [tilespmem:$0x160];
	v3 =	vsub.f32 v4, v3;
	v34 =	vand.u32 $0x7FFFFFFF, v29;
	v0 =	vadd.f32 v31, v0  }
0xe1: {  	v44 =	vld [tilespmem:$0x260];
	v37 =	vsub.f32 v6, v7;
	v36 =	vand.u32 $0x7FFFFFFF, v32;
	v1 =	vadd.f32 v34, v1  }
0xe2: {  	v47 =	vld [tilespmem:$0xF0];
	v40 =	vsub.f32 v9, v10;
	v39 =	vand.u32 $0x7FFFFFFF, v3;
	v0 =	vadd.f32 v36, v0  }
0xe3: {  	v33 =	vld [tilespmem:$0x250];
	v43 =	vsub.f32 v11, v43;
	v42 =	vand.u32 $0x7FFFFFFF, v37;
	v1 =	vadd.f32 v39, v1  }
0xe4: {  	v35 =	vld [tilespmem:$0xE0];
	v46 =	vsub.f32 v46, v49;
	v45 =	vand.u32 $0x7FFFFFFF, v40;
	v0 =	vadd.f32 v42, v0  }
0xe5: {  	v50 =	vld [tilespmem:$0x1F0];
	v49 =	vsub.f32 v52, v55;
	v48 =	vand.u32 $0x7FFFFFFF, v43;
	v1 =	vadd.f32 v45, v1  }
0xe6: {  	v53 =	vld [tilespmem:$0x170];
	v52 =	vsub.f32 v58, v61;
	v51 =	vand.u32 $0x7FFFFFFF, v46;
	v0 =	vadd.f32 v48, v0  }
0xe7: {  	v56 =	vld [tilespmem:$0x270];
	v55 =	vsub.f32 v24, v27;
	v54 =	vand.u32 $0x7FFFFFFF, v49;
	v1 =	vadd.f32 v51, v1  }
0xe8: {  	v3 =	vand.u32 $0x7FFFFFFF, v52;
	v57 =	vsub.f32 v30, v33;
	v0 =	vadd.f32 v54, v0  }
0xe9: {  	v59 =	vand.u32 $0x7FFFFFFF, v55;
	v58 =	vsub.f32 v35, v38;
	v1 =	vadd.f32 v3, v1  }
0xea: {  	v60 =	vsub.f32 v41, v44;
	v2 =	vand.u32 $0x7FFFFFFF, v57;
	v0 =	vadd.f32 v59, v0  }
0xeb: {  	v61 =	vsub.f32 v47, v50;
	v3 =	vand.u32 $0x7FFFFFFF, v58;
	v1 =	vadd.f32 v2, v1  }
0xec: {  	v62 =	vsub.f32 v53, v56;
	v4 =	vand.u32 $0x7FFFFFFF, v60;
	v0 =	vadd.f32 v3, v0  }
0xed: {  	v2 =	vand.u32 $0x7FFFFFFF, v61;
	v1 =	vadd.f32 v4, v1  }
0xee: {  	v63 =	vand.u32 $0x7FFFFFFF, v62;
	v0 =	vadd.f32 v2, v0  }
0xef: {  	v1 =	vadd.f32 v63, v1  }
0xf0: {  	p0 =	sne.s32 s20, $0x1;
	[tilespmem:$0x2A0] =	vst v0  }
.Ltmp0:
0xf1: {  	[tilespmem:$0x2B0] =	vst v1;
	(pc) =	sbr.rel @p0 .LBB2_1-.Ltmp0, $4  }
0xf2: {  	[hbm4b:s19+s2] =	stream.linear.scatter [tilespmem:s28], [sflag:$0x2], $0x80, $0x38;
	[tilespmem:$0x300] =	vst v63  }
0xf3: {  	_ =	swait.ge [sflag:s21], $0x80  }
0xf4: {  	[sflag:s21] =	ssyncset.done $0x0  }
0xf5: {  	s20 =	sadd.s32 $0xFFFFFFFF, s20;
	[sflag:s21] =	ssyncadd.s32 $0xFFFFFF80  }
0xf6: {  	_ =	sfence.sel $0x180000  }
0xf7: {  	[bflag:$0x0] =	sbarrier.arrive $0xFFFF  }
0xf8: {  	p0 =	sne.s32 s3, $0x0;
	_ =	strace $0x90000047  }
0xf9: {  	s0 =	sadd.s32 @!p0 $0x100000, s0;
	[bflag:$0x2] =	sbarrier.arrive $0xFFFF  }
0xfa: {  	[sflag:s0] =	ssyncadd.tile.s32 @!p0 $0x1;
	_ =	shalt  }
.Lfunc_end2:
_tile_overlayer_lowered:
.L_overlay_start_2:
0xfb: {  	(tag) =	ssettag $0x2  }
0xfc: {  	s0 =	rddreg [dreg:$0x0];
	s2 =	stileid.u32  }
0xfd: {  	s1 =	rddreg [dreg:$0x1];
	p0 =	sne.s32 s2, $0x0  }
0xfe: {  	s3 =	rddreg [dreg:$0x2];
	[bflag:$0x3] =	sbarrier.arrive $0xFFFF;
	s2 =	simm.s32 @!p0 $0x1C02  }
0xff: {  	[timem:s3], [sflag:s2] =	dma.local @!p0 [hbm:s0], s1  }
0x100: {  	s0 =	simm.s32 @!p0 $0x2  }
0x101: {  	_ =	swait.ge @!p0 [sflag:s0], s1  }
0x102: {  	s1 =	ssub.s32 @!p0 $0x0, s1;
	[sflag:s0] =	ssyncset.done @!p0 $0x0  }
0x103: {  	[sflag:s0] =	ssyncadd.s32 @!p0 s1  }
0x104: {  	[bflag:$0x3] =	sbarrier.arrive $0xFFFF  }
0x105: {  	_ =	shalt  }

</sc_bundles>
